<compile_context>
chip_gen: v7x
topology: tpu7x:2x2x1
jax: 0.10.2.dev20260603
libtpu: 0.0.44.dev20260713+nightly
codegen_flags: <defaults>
</compile_context>

<pallas_src>
import functools

import jax
import jax.numpy as jnp
from jax import lax
from jax.experimental import pallas as pl
from jax.experimental.pallas import tpu as pltpu
from jax.experimental.pallas import tpu_sc as plsc

H = 128
EB = 2560


def _mm(a, b):
    return jnp.dot(a, b, preferred_element_type=jnp.float32)


def _node_body(nb, xu, xm,
               encW1, encb1, encW2, encb2,
               impW1, impb1, impW2, impb2,
               intW1, intb1, intW2, intb2,
               npW, npb, Wproj,
               eeW2, eeb2, W1c, mlpb1,
               table_ref, wec_ref, btot_ref):
    relu = jax.nn.relu
    is_m = (pl.program_id(0) >= nb).astype(jnp.float32)
    x = xu[...] * (1.0 - is_m) + xm[...] * is_m

    h = _mm(relu(_mm(x, encW1[0]) + encb1[0]), encW2[0]) + encb2[0]
    imp = jax.nn.sigmoid(
        _mm(relu(_mm(h, impW1[...]) + impb1[...]), impW2[...]) + impb2[...])
    t = _mm(relu(_mm(h, intW1[...]) + intb1[...]), intW2[...]) + intb2[...]
    h = h + t * imp
    h = _mm(h, npW[...]) + npb[...]
    table_ref[...] = _mm(h, Wproj[0])

    wec_ref[...] = _mm(eeW2[...], W1c[...])
    btot_ref[...] = mlpb1[...] + _mm(eeb2[...], W1c[...])


def _edge_body(srcr, dstr, ea, eeW1, eeb1, wec, btot, W2, b2, W3, b3, out_ref):
    relu = jax.nn.relu
    e1 = relu(_mm(ea[...], eeW1[...]) + eeb1[...])
    z = relu(srcr[...] + dstr[...] + _mm(e1, wec[...]) + btot[...])
    h2 = relu(_mm(z, W2[...]) + b2[...])
    out_ref[...] = _mm(h2, W3[...]) + b3[...]


def _make_gather(b_grp, per_w, ch, nc, ns, n_half):
    n_ch = per_w // ch
    n_g = n_ch // 2
    b_half = b_grp // 2
    stage = (n_half // ns) // 8 * 8
    rem = n_half - stage * ns
    mesh = plsc.VectorSubcoreMesh(core_axis_name="c", subcore_axis_name="s")

    @functools.partial(
        pl.kernel,
        out_type=jax.ShapeDtypeStruct((b_grp, H), jnp.float32),
        mesh=mesh,
        scratch_types=[
            pltpu.VMEM((per_w,), jnp.int32),
            pltpu.VMEM((2, ch, H), jnp.float32),
            pltpu.VMEM_SHARED((n_half, H), jnp.float32),
            [pltpu.SemaphoreType.DMA] * 2,
            [pltpu.SemaphoreType.DMA] * 2,
        ],
    )
    def gather_k(table_hbm, idx_hbm, out_hbm, idx_v, rows_v, tab_s, g_sems, o_sems):
        c = lax.axis_index("c")
        s = lax.axis_index("s")
        base = pl.multiple_of(c * b_half + s * per_w, ch)

        pltpu.sync_copy(
            table_hbm.at[pl.ds(pl.multiple_of(c * n_half + s * stage, 8), stage)],
            tab_s.at[pl.ds(pl.multiple_of(s * stage, 8), stage)])
        if rem:
            @pl.when(s < rem // 8)
            def _():
                pltpu.sync_copy(
                    table_hbm.at[pl.ds(
                        pl.multiple_of(c * n_half + stage * ns + s * 8, 8), 8)],
                    tab_s.at[pl.ds(pl.multiple_of(stage * ns + s * 8, 8), 8)])
        pltpu.sync_copy(idx_hbm.at[pl.ds(base, per_w)], idx_v)
        plsc.subcore_barrier()

        def gather_copy(ci, slot):
            return pltpu.make_async_copy(
                tab_s.at[idx_v.at[pl.ds(pl.multiple_of(ci * ch, ch), ch)]],
                rows_v.at[slot], g_sems[slot])

        def out_copy(ci, slot):
            return pltpu.make_async_copy(
                rows_v.at[slot],
                out_hbm.at[pl.ds(pl.multiple_of(base + ci * ch, ch), ch)],
                o_sems[slot])

        def body(g, carry):
            for b in range(2):
                ci = g * 2 + b
                @pl.when(g >= 1)
                def _():
                    out_copy(ci - 2, b).wait()

                gather_copy(ci, b).start()

                if b == 1:
                    gather_copy(ci - 1, 0).wait()
                    out_copy(ci - 1, 0).start()
                else:
                    @pl.when(g >= 1)
                    def _():
                        gather_copy(ci - 1, 1).wait()
                        out_copy(ci - 1, 1).start()
            return carry

        lax.fori_loop(0, n_g, body, 0)

        gather_copy(n_ch - 1, 1).wait()
        out_copy(n_ch - 1, 1).start()
        for j in (n_ch - 2, n_ch - 1):
            out_copy(j, j % 2).wait()

    return gather_k


def kernel(x_user, x_merchant, edge_index, edge_index_rev, edge_attr, params):
    del edge_index_rev
    p = params
    n_u = x_user.shape[0]
    n_m = x_merchant.shape[0]
    n_edges = edge_index.shape[1]
    e_dim = edge_attr.shape[1]

    def row(v):
        return v.reshape(1, -1)

    W1a = p['mlp_W1'][:H]
    W1b = p['mlp_W1'][H:2 * H]
    W1c = p['mlp_W1'][2 * H:]

    nb = 5
    blk = n_u // nb

    def full(shape):
        return pl.BlockSpec(shape, lambda i: tuple(0 for _ in shape))

    def rel(shape):
        return pl.BlockSpec((1,) + shape, lambda i: (i // nb, 0, 0))

    table, wec, btot = pl.pallas_call(
        functools.partial(_node_body, nb),
        grid=(2 * nb,),
        in_specs=[pl.BlockSpec((blk, H), lambda i: (i % nb, 0)),
                  pl.BlockSpec((blk, H), lambda i: (i % nb, 0)),
                  rel((H, H)), rel((1, H)), rel((H, H)), rel((1, H)),
                  full((H, H // 2)), full((1, H // 2)), full((H // 2, 1)), full((1, 1)),
                  full((H, H)), full((1, H)), full((H, H)), full((1, H)),
                  full((H, H)), full((1, H)), rel((H, H)),
                  full((H, H)), full((1, H)), full((H, H)), full((1, H))],
        out_specs=[pl.BlockSpec((blk, H), lambda i: (i, 0)),
                   full((H, H)), full((1, H))],
        out_shape=[jax.ShapeDtypeStruct((n_u + n_m, H), jnp.float32),
                   jax.ShapeDtypeStruct((H, H), jnp.float32),
                   jax.ShapeDtypeStruct((1, H), jnp.float32)],
    )(x_user, x_merchant,
      jnp.stack([p['ue_W1'], p['me_W1']]), jnp.stack([row(p['ue_b1']), row(p['me_b1'])]),
      jnp.stack([p['ue_W2'], p['me_W2']]), jnp.stack([row(p['ue_b2']), row(p['me_b2'])]),
      p['imp_W1'], row(p['imp_b1']), p['imp_W2'], row(p['imp_b2']),
      p['int_W1'], row(p['int_b1']), p['int_W2'], row(p['int_b2']),
      p['np_W'], row(p['np_b']), jnp.stack([W1a, W1b]),
      p['ee_W2'], row(p['ee_b2']), W1c, row(p['mlp_b1']))

    info = plsc.get_sparse_core_info()
    nc, ns = info.num_cores, info.num_subcores
    ch = 64
    per_w = -(-n_edges // (ns * 640)) * 640
    b_pad = per_w * ns
    b_all = 2 * b_pad

    pad = b_pad - n_edges
    idx_all = jnp.concatenate([
        jnp.pad(edge_index[0].astype(jnp.int32), (0, pad)),
        jnp.pad(edge_index[1].astype(jnp.int32), (0, pad)),
    ])

    gather_k = _make_gather(b_all, per_w, ch, nc, ns, n_u)
    rows = gather_k(table, idx_all)

    n_eb = n_edges // EB
    dst_off = b_pad // EB

    logits = pl.pallas_call(
        _edge_body,
        grid=(n_eb,),
        in_specs=[pl.BlockSpec((EB, H), lambda i: (i, 0)),
                  pl.BlockSpec((EB, H), lambda i: (i + dst_off, 0)),
                  pl.BlockSpec((EB, e_dim), lambda i: (i, 0)),
                  full((e_dim, H)), full((1, H)),
                  full((H, H)), full((1, H)),
                  full((H, H // 2)), full((1, H // 2)),
                  full((H // 2, 2)), full((1, 2))],
        out_specs=pl.BlockSpec((EB, 2), lambda i: (i, 0)),
        out_shape=jax.ShapeDtypeStruct((n_edges, 2), jnp.float32),
    )(rows, rows, edge_attr,
      p['ee_W1'], row(p['ee_b1']), wec, btot,
      p['mlp_W2'], row(p['mlp_b2']), p['mlp_W3'], row(p['mlp_b3']))

    return logits

# --- scband reference (transcript-rebuilt; emitter-appended) ---
"""Pipeline reference for scband-fraud-gnnhybrid-798863917142 (READ-ONLY COPY).

The authoritative reference and input builder live on the scoring server;
editing this copy changes nothing except your own understanding.
"""

import jax, jax.numpy as jnp
import numpy as np

H = 128
E_DIM = 16
N_USER = 10000
N_MERCHANT = 10000
N_EDGES = 320000


def setup_inputs(seed: int = 0) -> dict:
    key = jax.random.key(seed)
    ks = jax.random.split(key, 48)
    it = iter(range(48))

    def nx():
        return ks[next(it)]

    def dense(shape, scale=0.05):
        return jax.random.normal(nx(), shape, dtype=jnp.float32) * scale

    x_user = jax.random.normal(nx(), (N_USER, H), dtype=jnp.float32)
    x_merchant = jax.random.normal(nx(), (N_MERCHANT, H), dtype=jnp.float32)
    edge_index = jax.random.randint(nx(), (2, N_EDGES), 0, N_USER)
    edge_index_rev = jnp.stack([edge_index[1], edge_index[0]])
    edge_attr = jax.random.normal(nx(), (N_EDGES, E_DIM), dtype=jnp.float32)

    p = {}
    # user / merchant NodeEncoder (Linear, ReLU, Dropout(eval), Linear)
    p['ue_W1'] = dense((H, H)); p['ue_b1'] = jnp.zeros((H,), jnp.float32)
    p['ue_W2'] = dense((H, H)); p['ue_b2'] = jnp.zeros((H,), jnp.float32)
    p['me_W1'] = dense((H, H)); p['me_b1'] = jnp.zeros((H,), jnp.float32)
    p['me_W2'] = dense((H, H)); p['me_b2'] = jnp.zeros((H,), jnp.float32)
    # SAGEConv per relation: out = lin_l(mean_aggr(x_src)) + lin_r(x_dst)
    p['sage1_Wl'] = dense((H, H)); p['sage1_bl'] = jnp.zeros((H,), jnp.float32); p['sage1_Wr'] = dense((H, H))
    p['sage2_Wl'] = dense((H, H)); p['sage2_bl'] = jnp.zeros((H,), jnp.float32); p['sage2_Wr'] = dense((H, H))
    # RelationshipSummarizer projection
    p['proj_W1'] = dense((2 * H, H)); p['proj_b1'] = jnp.zeros((H,), jnp.float32)
    p['proj_W2'] = dense((H, H)); p['proj_b2'] = jnp.zeros((H,), jnp.float32)
    # CoreNodeIntensifier
    p['imp_W1'] = dense((H, H // 2)); p['imp_b1'] = jnp.zeros((H // 2,), jnp.float32)
    p['imp_W2'] = dense((H // 2, 1)); p['imp_b2'] = jnp.zeros((1,), jnp.float32)
    p['int_W1'] = dense((H, H)); p['int_b1'] = jnp.zeros((H,), jnp.float32)
    p['int_W2'] = dense((H, H)); p['int_b2'] = jnp.zeros((H,), jnp.float32)
    # node_proj
    p['np_W'] = dense((H, H)); p['np_b'] = jnp.zeros((H,), jnp.float32)
    # FraudEdgeClassifier: EdgeTemporalEncoder + MLP
    p['ee_W1'] = dense((E_DIM, H)); p['ee_b1'] = jnp.zeros((H,), jnp.float32)
    p['ee_W2'] = dense((H, H)); p['ee_b2'] = jnp.zeros((H,), jnp.float32)
    p['mlp_W1'] = dense((3 * H, H)); p['mlp_b1'] = jnp.zeros((H,), jnp.float32)
    p['mlp_W2'] = dense((H, H // 2)); p['mlp_b2'] = jnp.zeros((H // 2,), jnp.float32)
    p['mlp_W3'] = dense((H // 2, 2)); p['mlp_b3'] = jnp.zeros((2,), jnp.float32)

    return {'x_user': x_user, 'x_merchant': x_merchant, 'edge_index': edge_index,
            'edge_index_rev': edge_index_rev, 'edge_attr': edge_attr, 'params': p}


def reference(x_user, x_merchant, edge_index, edge_index_rev, edge_attr, params):
    p = params
    relu = jax.nn.relu

    h_user = relu(x_user @ p['ue_W1'] + p['ue_b1']) @ p['ue_W2'] + p['ue_b2']
    h_merch = relu(x_merchant @ p['me_W1'] + p['me_b1']) @ p['me_W2'] + p['me_b2']

    def sage(x_src, x_dst, ei, Wl, bl, Wr):
        src, dst = ei[0], ei[1]
        msgs = x_src[src]
        n_dst = x_dst.shape[0]
        s = jax.ops.segment_sum(msgs, dst, num_segments=n_dst)
        cnt = jax.ops.segment_sum(jnp.ones((msgs.shape[0],), jnp.float32), dst, num_segments=n_dst)
        mean = s / jnp.clip(cnt, 1.0)[:, None]
        return mean @ Wl + bl + x_dst @ Wr

    # RelationshipSummarizer (computed but unused downstream, matching the torch forward)
    r1 = sage(h_user, h_merch, edge_index, p['sage1_Wl'], p['sage1_bl'], p['sage1_Wr'])
    r2 = sage(h_merch, h_user, edge_index_rev, p['sage2_Wl'], p['sage2_bl'], p['sage2_Wr'])
    comb = jnp.concatenate([r1, r2], axis=-1)
    rel_emb = relu(comb @ p['proj_W1'] + p['proj_b1']) @ p['proj_W2'] + p['proj_b2']
    _ = rel_emb

    def intensify(h):
        imp = jax.nn.sigmoid(relu(h @ p['imp_W1'] + p['imp_b1']) @ p['imp_W2'] + p['imp_b2'])
        t = relu(h @ p['int_W1'] + p['int_b1']) @ p['int_W2'] + p['int_b2']
        return h + t * imp

    h_user = intensify(h_user)
    h_merch = intensify(h_merch)
    h_user = h_user @ p['np_W'] + p['np_b']
    h_merch = h_merch @ p['np_W'] + p['np_b']

    src_h = h_user[edge_index[0]]
    dst_h = h_merch[edge_index[1]]
    e = relu(edge_attr @ p['ee_W1'] + p['ee_b1']) @ p['ee_W2'] + p['ee_b2']
    c = jnp.concatenate([src_h, dst_h, e], axis=-1)
    h1 = relu(c @ p['mlp_W1'] + p['mlp_b1'])
    h2 = relu(h1 @ p['mlp_W2'] + p['mlp_b2'])
    logits = h2 @ p['mlp_W3'] + p['mlp_b3']
    return logits

if __name__ == "__main__":
    import jax
    _d = setup_inputs()
    print(jax.jit(kernel)(*tuple(_d.values())))

</pallas_src>

<mosaic_0001>
#map = affine_map<(d0, d1) -> (0, 0)>
#map1 = affine_map<(d0, d1) -> (0)>
module attributes {stable_mosaic.version = 14 : i64} {
  func.func @gather_k(%arg0: i32, %arg1: i32, %arg2: memref<20000x128xf32, #tpu.memory_space<hbm>>, %arg3: memref<655360xi32, #tpu.memory_space<hbm>>, %arg4: memref<655360x128xf32, #tpu.memory_space<hbm>>, %arg5: memref<20480xi32, #tpu.memory_space<vmem>>, %arg6: memref<2x64x128xf32, #tpu.memory_space<vmem>>, %arg7: memref<10000x128xf32, #tpu.memory_space<vmem_shared>>, %arg8: memref<!tpu.dma_semaphore, #tpu.memory_space<semaphore_mem>>, %arg9: memref<!tpu.dma_semaphore, #tpu.memory_space<semaphore_mem>>, %arg10: memref<!tpu.dma_semaphore, #tpu.memory_space<semaphore_mem>>, %arg11: memref<!tpu.dma_semaphore, #tpu.memory_space<semaphore_mem>>) attributes {dimension_semantics = [#tpu.dimension_semantics<core_parallel>, #tpu.dimension_semantics<subcore_parallel>], iteration_bounds = array<i64: 2, 16>, scalar_prefetch = 0 : i64, scratch_operands = 7 : i64, tpu.core_type = #tpu.core_type<sc_vector_subcore>, window_params = [{transform_indices = #map}, {transform_indices = #map1}, {transform_indices = #map}]} {
    %mul3A = arith.constant 327680 : i32
    %mul3A_0 = arith.muli %arg0, %mul3A : i32
    %mul3A_1 = arith.constant 20480 : i32
    %mul3A_2 = arith.muli %arg1, %mul3A_1 : i32
    %add3A = arith.addi %mul3A_0, %mul3A_2 : i32
    %multiple_of3A = tpu.assume_multiple %add3A, 64 : i32
    %mul3A_3 = arith.constant 10000 : i32
    %mul3A_4 = arith.muli %arg0, %mul3A_3 : i32
    %mul3A_5 = arith.constant 624 : i32
    %mul3A_6 = arith.muli %arg1, %mul3A_5 : i32
    %add3A_7 = arith.addi %mul3A_4, %mul3A_6 : i32
    %multiple_of3A_8 = tpu.assume_multiple %add3A_7, 8 : i32
    %mul3A_9 = arith.constant 624 : i32
    %mul3A_10 = arith.muli %arg1, %mul3A_9 : i32
    %multiple_of3A_11 = tpu.assume_multiple %mul3A_10, 8 : i32
    "tpu.region"() ({
      %run_scoped3A = tpu.sem_alloc : memref<!tpu.dma_semaphore, #tpu.memory_space<semaphore_mem>>
      %dma_start3A_76 = arith.constant 0 : i32
      %dma_start3A_77 = tpu.memref_slice %arg7[%multiple_of3A_11, %dma_start3A_76] : memref<10000x128xf32, #tpu.memory_space<vmem_shared>> -> memref<624x128xf32, #tpu.memory_space<vmem_shared>>
      %dma_start3A_78 = arith.constant 0 : i32
      %dma_start3A_79 = tpu.memref_slice %arg2[%multiple_of3A_8, %dma_start3A_78] : memref<20000x128xf32, #tpu.memory_space<hbm>> -> memref<624x128xf32, #tpu.memory_space<hbm>>
      tpu.enqueue_dma source(%dma_start3A_79 : memref<624x128xf32, #tpu.memory_space<hbm>>) target(%dma_start3A_77 : memref<624x128xf32, #tpu.memory_space<vmem_shared>>) target_semaphore(%run_scoped3A : memref<!tpu.dma_semaphore, #tpu.memory_space<semaphore_mem>>)
      %dma_wait3A_80 = arith.constant 0 : i32
      %dma_wait3A_81 = tpu.memref_slice %arg7[%multiple_of3A_11, %dma_wait3A_80] : memref<10000x128xf32, #tpu.memory_space<vmem_shared>> -> memref<624x128xf32, #tpu.memory_space<vmem_shared>>
      %dma_wait3A_82 = arith.constant 0 : i32
      %dma_wait3A_83 = tpu.memref_slice %arg2[%multiple_of3A_8, %dma_wait3A_82] : memref<20000x128xf32, #tpu.memory_space<hbm>> -> memref<624x128xf32, #tpu.memory_space<hbm>>
      tpu.wait_dma2 semaphore(%run_scoped3A : memref<!tpu.dma_semaphore, #tpu.memory_space<semaphore_mem>>) src(%dma_wait3A_83 : memref<624x128xf32, #tpu.memory_space<hbm>>) dst(%dma_wait3A_81 : memref<624x128xf32, #tpu.memory_space<vmem_shared>>)
      tpu.yield
    }) : () -> ()
    %lt3A = arith.constant 2 : i32
    %lt3A_12 = arith.cmpi slt, %arg1, %lt3A : i32
    %convert_element_type3A = arith.extui %lt3A_12 : i1 to i32
    %cond3A = arith.constant 0 : i32
    %cond3A_13 = arith.cmpi ne, %convert_element_type3A, %cond3A : i32
    scf.if %cond3A_13 {
      %mul3A_76 = arith.constant 10000 : i32
      %mul3A_77 = arith.muli %arg0, %mul3A_76 : i32
      %add3A_78 = arith.constant 9984 : i32
      %add3A_79 = arith.addi %mul3A_77, %add3A_78 : i32
      %mul3A_80 = arith.constant 8 : i32
      %mul3A_81 = arith.muli %arg1, %mul3A_80 : i32
      %add3A_82 = arith.addi %add3A_79, %mul3A_81 : i32
      %multiple_of3A_83 = tpu.assume_multiple %add3A_82, 8 : i32
      %mul3A_84 = arith.constant 8 : i32
      %mul3A_85 = arith.muli %arg1, %mul3A_84 : i32
      %add3A_86 = arith.constant 9984 : i32
      %add3A_87 = arith.addi %add3A_86, %mul3A_85 : i32
      %multiple_of3A_88 = tpu.assume_multiple %add3A_87, 8 : i32
      "tpu.region"() ({
        %run_scoped3A = tpu.sem_alloc : memref<!tpu.dma_semaphore, #tpu.memory_space<semaphore_mem>>
        %dma_start3A_89 = arith.constant 0 : i32
        %dma_start3A_90 = tpu.memref_slice %arg7[%multiple_of3A_88, %dma_start3A_89] : memref<10000x128xf32, #tpu.memory_space<vmem_shared>> -> memref<8x128xf32, #tpu.memory_space<vmem_shared>>
        %dma_start3A_91 = arith.constant 0 : i32
        %dma_start3A_92 = tpu.memref_slice %arg2[%multiple_of3A_83, %dma_start3A_91] : memref<20000x128xf32, #tpu.memory_space<hbm>> -> memref<8x128xf32, #tpu.memory_space<hbm>>
        tpu.enqueue_dma source(%dma_start3A_92 : memref<8x128xf32, #tpu.memory_space<hbm>>) target(%dma_start3A_90 : memref<8x128xf32, #tpu.memory_space<vmem_shared>>) target_semaphore(%run_scoped3A : memref<!tpu.dma_semaphore, #tpu.memory_space<semaphore_mem>>)
        %dma_wait3A_93 = arith.constant 0 : i32
        %dma_wait3A_94 = tpu.memref_slice %arg7[%multiple_of3A_88, %dma_wait3A_93] : memref<10000x128xf32, #tpu.memory_space<vmem_shared>> -> memref<8x128xf32, #tpu.memory_space<vmem_shared>>
        %dma_wait3A_95 = arith.constant 0 : i32
        %dma_wait3A_96 = tpu.memref_slice %arg2[%multiple_of3A_83, %dma_wait3A_95] : memref<20000x128xf32, #tpu.memory_space<hbm>> -> memref<8x128xf32, #tpu.memory_space<hbm>>
        tpu.wait_dma2 semaphore(%run_scoped3A : memref<!tpu.dma_semaphore, #tpu.memory_space<semaphore_mem>>) src(%dma_wait3A_96 : memref<8x128xf32, #tpu.memory_space<hbm>>) dst(%dma_wait3A_94 : memref<8x128xf32, #tpu.memory_space<vmem_shared>>)
        tpu.yield
      }) : () -> ()
    } else {
    }
    "tpu.region"() ({
      %run_scoped3A = tpu.sem_alloc : memref<!tpu.dma_semaphore, #tpu.memory_space<semaphore_mem>>
      %dma_start3A_76 = tpu.memref_slice %arg3[%multiple_of3A] : memref<655360xi32, #tpu.memory_space<hbm>> -> memref<20480xi32, #tpu.memory_space<hbm>>
      %dma_start3A_77 = tpu.memref_slice %arg3[%multiple_of3A] : memref<655360xi32, #tpu.memory_space<hbm>> -> memref<20480xi32, #tpu.memory_space<hbm>>
      tpu.enqueue_dma source(%dma_start3A_77 : memref<20480xi32, #tpu.memory_space<hbm>>) target(%arg5 : memref<20480xi32, #tpu.memory_space<vmem>>) target_semaphore(%run_scoped3A : memref<!tpu.dma_semaphore, #tpu.memory_space<semaphore_mem>>)
      %dma_wait3A_78 = tpu.memref_slice %arg3[%multiple_of3A] : memref<655360xi32, #tpu.memory_space<hbm>> -> memref<20480xi32, #tpu.memory_space<hbm>>
      %dma_wait3A_79 = tpu.memref_slice %arg3[%multiple_of3A] : memref<655360xi32, #tpu.memory_space<hbm>> -> memref<20480xi32, #tpu.memory_space<hbm>>
      tpu.wait_dma2 semaphore(%run_scoped3A : memref<!tpu.dma_semaphore, #tpu.memory_space<semaphore_mem>>) src(%dma_wait3A_79 : memref<20480xi32, #tpu.memory_space<hbm>>) dst(%arg5 : memref<20480xi32, #tpu.memory_space<vmem>>)
      tpu.yield
    }) : () -> ()
    %barrier3A = arith.constant 0 : index
    tpu.barrier barrier_id(%barrier3A)
    %scan3A = arith.constant 0 : i32
    %scan3A_14 = arith.constant 0 : i32
    %scan3A_15 = arith.constant 160 : i32
    %scan3A_16 = arith.addi %scan3A_14, %scan3A_15 : i32
    %scan3A_17 = arith.constant 1 : i32
    scf.for %scan3A_76 = %scan3A_14 to %scan3A_16 step %scan3A_17  : i32 {
      %mul3A_77 = arith.constant 2 : i32
      %mul3A_78 = arith.muli %scan3A_76, %mul3A_77 : i32
      %add3A_79 = arith.constant 0 : i32
      %add3A_80 = arith.addi %mul3A_78, %add3A_79 : i32
      %ge3A = arith.constant 1 : i32
      %ge3A_81 = arith.cmpi sge, %scan3A_76, %ge3A : i32
      %convert_element_type3A_82 = arith.extui %ge3A_81 : i1 to i32
      %cond3A_83 = arith.constant 0 : i32
      %cond3A_84 = arith.cmpi ne, %convert_element_type3A_82, %cond3A_83 : i32
      scf.if %cond3A_84 {
        %sub3A_155 = arith.constant 2 : i32
        %sub3A_156 = arith.subi %add3A_80, %sub3A_155 : i32
        %mul3A_157 = arith.constant 64 : i32
        %mul3A_158 = arith.muli %sub3A_156, %mul3A_157 : i32
        %add3A_159 = arith.addi %multiple_of3A, %mul3A_158 : i32
        %multiple_of3A_160 = tpu.assume_multiple %add3A_159, 64 : i32
        %dma_wait3A_161 = arith.constant 0 : i32
        %dma_wait3A_162 = arith.constant 0 : i32
        %dma_wait3A_163 = arith.constant 0 : i32
        %dma_wait3A_164 = tpu.memref_slice %arg6[%dma_wait3A_161, %dma_wait3A_162, %dma_wait3A_163] : memref<2x64x128xf32, #tpu.memory_space<vmem>> -> memref<1x64x128xf32, #tpu.memory_space<vmem>>
        %dma_wait3A_165 = tpu.memref_squeeze %dma_wait3A_164 : memref<1x64x128xf32, #tpu.memory_space<vmem>> -> memref<64x128xf32, #tpu.memory_space<vmem>>
        %dma_wait3A_166 = arith.constant 0 : i32
        %dma_wait3A_167 = tpu.memref_slice %arg4[%multiple_of3A_160, %dma_wait3A_166] : memref<655360x128xf32, #tpu.memory_space<hbm>> -> memref<64x128xf32, #tpu.memory_space<hbm>>
        %dma_wait3A_168 = arith.constant 0 : i32
        %dma_wait3A_169 = tpu.memref_slice %arg4[%multiple_of3A_160, %dma_wait3A_168] : memref<655360x128xf32, #tpu.memory_space<hbm>> -> memref<64x128xf32, #tpu.memory_space<hbm>>
        %dma_wait3A_170 = arith.constant 0 : i32
        %dma_wait3A_171 = arith.constant 0 : i32
        %dma_wait3A_172 = tpu.memref_slice %arg6[%dma_wait3A_161, %dma_wait3A_170, %dma_wait3A_171] : memref<2x64x128xf32, #tpu.memory_space<vmem>> -> memref<1x64x128xf32, #tpu.memory_space<vmem>>
        %dma_wait3A_173 = tpu.memref_squeeze %dma_wait3A_172 : memref<1x64x128xf32, #tpu.memory_space<vmem>> -> memref<64x128xf32, #tpu.memory_space<vmem>>
        tpu.wait_dma2 semaphore(%arg10 : memref<!tpu.dma_semaphore, #tpu.memory_space<semaphore_mem>>) src(%dma_wait3A_173 : memref<64x128xf32, #tpu.memory_space<vmem>>) dst(%dma_wait3A_169 : memref<64x128xf32, #tpu.memory_space<hbm>>)
      } else {
      }
      %mul3A_85 = arith.constant 64 : i32
      %mul3A_86 = arith.muli %add3A_80, %mul3A_85 : i32
      %multiple_of3A_87 = tpu.assume_multiple %mul3A_86, 64 : i32
      %dma_start3A_88 = arith.constant 0 : i32
      %dma_start3A_89 = arith.constant 0 : i32
      %dma_start3A_90 = arith.constant 0 : i32
      %dma_start3A_91 = tpu.memref_slice %arg6[%dma_start3A_88, %dma_start3A_89, %dma_start3A_90] : memref<2x64x128xf32, #tpu.memory_space<vmem>> -> memref<1x64x128xf32, #tpu.memory_space<vmem>>
      %dma_start3A_92 = tpu.memref_squeeze %dma_start3A_91 : memref<1x64x128xf32, #tpu.memory_space<vmem>> -> memref<64x128xf32, #tpu.memory_space<vmem>>
      %dma_start3A_93 = tpu.memref_slice %arg5[%multiple_of3A_87] : memref<20480xi32, #tpu.memory_space<vmem>> -> memref<64xi32, #tpu.memory_space<vmem>>
      %dma_start3A_94 = arith.constant 0 : i32
      %dma_start3A_95 = arith.constant 0 : i32
      %dma_start3A_96 = tpu.memref_slice %arg7[%dma_start3A_94, %dma_start3A_95] : memref<10000x128xf32, #tpu.memory_space<vmem_shared>> -> memref<10000x128xf32, #tpu.memory_space<vmem_shared>>
      tpu.enqueue_indirect_dma source(%dma_start3A_96 : memref<10000x128xf32, #tpu.memory_space<vmem_shared>>) target(%dma_start3A_92 : memref<64x128xf32, #tpu.memory_space<vmem>>) offsets(%dma_start3A_93 : memref<64xi32, #tpu.memory_space<vmem>>) semaphore(%arg8 : memref<!tpu.dma_semaphore, #tpu.memory_space<semaphore_mem>>)
      %ge3A_97 = arith.constant 1 : i32
      %ge3A_98 = arith.cmpi sge, %scan3A_76, %ge3A_97 : i32
      %convert_element_type3A_99 = arith.extui %ge3A_98 : i1 to i32
      %cond3A_100 = arith.constant 0 : i32
      %cond3A_101 = arith.cmpi ne, %convert_element_type3A_99, %cond3A_100 : i32
      scf.if %cond3A_101 {
        %sub3A_155 = arith.constant 1 : i32
        %sub3A_156 = arith.subi %add3A_80, %sub3A_155 : i32
        %mul3A_157 = arith.constant 64 : i32
        %mul3A_158 = arith.muli %sub3A_156, %mul3A_157 : i32
        %multiple_of3A_159 = tpu.assume_multiple %mul3A_158, 64 : i32
        %dma_wait3A_160 = arith.constant 1 : i32
        %dma_wait3A_161 = arith.constant 0 : i32
        %dma_wait3A_162 = arith.constant 0 : i32
        %dma_wait3A_163 = tpu.memref_slice %arg6[%dma_wait3A_160, %dma_wait3A_161, %dma_wait3A_162] : memref<2x64x128xf32, #tpu.memory_space<vmem>> -> memref<1x64x128xf32, #tpu.memory_space<vmem>>
        %dma_wait3A_164 = tpu.memref_squeeze %dma_wait3A_163 : memref<1x64x128xf32, #tpu.memory_space<vmem>> -> memref<64x128xf32, #tpu.memory_space<vmem>>
        %dma_wait3A_165 = tpu.memref_slice %arg5[%multiple_of3A_159] : memref<20480xi32, #tpu.memory_space<vmem>> -> memref<64xi32, #tpu.memory_space<vmem>>
        %dma_wait3A_166 = arith.constant 0 : i32
        %dma_wait3A_167 = arith.constant 0 : i32
        %dma_wait3A_168 = tpu.memref_slice %arg7[%dma_wait3A_166, %dma_wait3A_167] : memref<10000x128xf32, #tpu.memory_space<vmem_shared>> -> memref<10000x128xf32, #tpu.memory_space<vmem_shared>>
        tpu.wait_indirect_dma semaphore(%arg9 : memref<!tpu.dma_semaphore, #tpu.memory_space<semaphore_mem>>) src(%dma_wait3A_168 : memref<10000x128xf32, #tpu.memory_space<vmem_shared>>) dst(%dma_wait3A_164 : memref<64x128xf32, #tpu.memory_space<vmem>>)
        %sub3A_169 = arith.constant 1 : i32
        %sub3A_170 = arith.subi %add3A_80, %sub3A_169 : i32
        %mul3A_171 = arith.constant 64 : i32
        %mul3A_172 = arith.muli %sub3A_170, %mul3A_171 : i32
        %add3A_173 = arith.addi %multiple_of3A, %mul3A_172 : i32
        %multiple_of3A_174 = tpu.assume_multiple %add3A_173, 64 : i32
        %dma_start3A_175 = arith.constant 1 : i32
        %dma_start3A_176 = arith.constant 0 : i32
        %dma_start3A_177 = arith.constant 0 : i32
        %dma_start3A_178 = tpu.memref_slice %arg6[%dma_start3A_175, %dma_start3A_176, %dma_start3A_177] : memref<2x64x128xf32, #tpu.memory_space<vmem>> -> memref<1x64x128xf32, #tpu.memory_space<vmem>>
        %dma_start3A_179 = tpu.memref_squeeze %dma_start3A_178 : memref<1x64x128xf32, #tpu.memory_space<vmem>> -> memref<64x128xf32, #tpu.memory_space<vmem>>
        %dma_start3A_180 = arith.constant 0 : i32
        %dma_start3A_181 = tpu.memref_slice %arg4[%multiple_of3A_174, %dma_start3A_180] : memref<655360x128xf32, #tpu.memory_space<hbm>> -> memref<64x128xf32, #tpu.memory_space<hbm>>
        %dma_start3A_182 = arith.constant 0 : i32
        %dma_start3A_183 = tpu.memref_slice %arg4[%multiple_of3A_174, %dma_start3A_182] : memref<655360x128xf32, #tpu.memory_space<hbm>> -> memref<64x128xf32, #tpu.memory_space<hbm>>
        %dma_start3A_184 = arith.constant 0 : i32
        %dma_start3A_185 = arith.constant 0 : i32
        %dma_start3A_186 = tpu.memref_slice %arg6[%dma_start3A_175, %dma_start3A_184, %dma_start3A_185] : memref<2x64x128xf32, #tpu.memory_space<vmem>> -> memref<1x64x128xf32, #tpu.memory_space<vmem>>
        %dma_start3A_187 = tpu.memref_squeeze %dma_start3A_186 : memref<1x64x128xf32, #tpu.memory_space<vmem>> -> memref<64x128xf32, #tpu.memory_space<vmem>>
        tpu.enqueue_dma source(%dma_start3A_187 : memref<64x128xf32, #tpu.memory_space<vmem>>) target(%dma_start3A_183 : memref<64x128xf32, #tpu.memory_space<hbm>>) target_semaphore(%arg11 : memref<!tpu.dma_semaphore, #tpu.memory_space<semaphore_mem>>)
      } else {
      }
      %mul3A_102 = arith.constant 2 : i32
      %mul3A_103 = arith.muli %scan3A_76, %mul3A_102 : i32
      %add3A_104 = arith.constant 1 : i32
      %add3A_105 = arith.addi %mul3A_103, %add3A_104 : i32
      %ge3A_106 = arith.constant 1 : i32
      %ge3A_107 = arith.cmpi sge, %scan3A_76, %ge3A_106 : i32
      %convert_element_type3A_108 = arith.extui %ge3A_107 : i1 to i32
      %cond3A_109 = arith.constant 0 : i32
      %cond3A_110 = arith.cmpi ne, %convert_element_type3A_108, %cond3A_109 : i32
      scf.if %cond3A_110 {
        %sub3A_155 = arith.constant 2 : i32
        %sub3A_156 = arith.subi %add3A_105, %sub3A_155 : i32
        %mul3A_157 = arith.constant 64 : i32
        %mul3A_158 = arith.muli %sub3A_156, %mul3A_157 : i32
        %add3A_159 = arith.addi %multiple_of3A, %mul3A_158 : i32
        %multiple_of3A_160 = tpu.assume_multiple %add3A_159, 64 : i32
        %dma_wait3A_161 = arith.constant 1 : i32
        %dma_wait3A_162 = arith.constant 0 : i32
        %dma_wait3A_163 = arith.constant 0 : i32
        %dma_wait3A_164 = tpu.memref_slice %arg6[%dma_wait3A_161, %dma_wait3A_162, %dma_wait3A_163] : memref<2x64x128xf32, #tpu.memory_space<vmem>> -> memref<1x64x128xf32, #tpu.memory_space<vmem>>
        %dma_wait3A_165 = tpu.memref_squeeze %dma_wait3A_164 : memref<1x64x128xf32, #tpu.memory_space<vmem>> -> memref<64x128xf32, #tpu.memory_space<vmem>>
        %dma_wait3A_166 = arith.constant 0 : i32
        %dma_wait3A_167 = tpu.memref_slice %arg4[%multiple_of3A_160, %dma_wait3A_166] : memref<655360x128xf32, #tpu.memory_space<hbm>> -> memref<64x128xf32, #tpu.memory_space<hbm>>
        %dma_wait3A_168 = arith.constant 0 : i32
        %dma_wait3A_169 = tpu.memref_slice %arg4[%multiple_of3A_160, %dma_wait3A_168] : memref<655360x128xf32, #tpu.memory_space<hbm>> -> memref<64x128xf32, #tpu.memory_space<hbm>>
        %dma_wait3A_170 = arith.constant 0 : i32
        %dma_wait3A_171 = arith.constant 0 : i32
        %dma_wait3A_172 = tpu.memref_slice %arg6[%dma_wait3A_161, %dma_wait3A_170, %dma_wait3A_171] : memref<2x64x128xf32, #tpu.memory_space<vmem>> -> memref<1x64x128xf32, #tpu.memory_space<vmem>>
        %dma_wait3A_173 = tpu.memref_squeeze %dma_wait3A_172 : memref<1x64x128xf32, #tpu.memory_space<vmem>> -> memref<64x128xf32, #tpu.memory_space<vmem>>
        tpu.wait_dma2 semaphore(%arg11 : memref<!tpu.dma_semaphore, #tpu.memory_space<semaphore_mem>>) src(%dma_wait3A_173 : memref<64x128xf32, #tpu.memory_space<vmem>>) dst(%dma_wait3A_169 : memref<64x128xf32, #tpu.memory_space<hbm>>)
      } else {
      }
      %mul3A_111 = arith.constant 64 : i32
      %mul3A_112 = arith.muli %add3A_105, %mul3A_111 : i32
      %multiple_of3A_113 = tpu.assume_multiple %mul3A_112, 64 : i32
      %dma_start3A_114 = arith.constant 1 : i32
      %dma_start3A_115 = arith.constant 0 : i32
      %dma_start3A_116 = arith.constant 0 : i32
      %dma_start3A_117 = tpu.memref_slice %arg6[%dma_start3A_114, %dma_start3A_115, %dma_start3A_116] : memref<2x64x128xf32, #tpu.memory_space<vmem>> -> memref<1x64x128xf32, #tpu.memory_space<vmem>>
      %dma_start3A_118 = tpu.memref_squeeze %dma_start3A_117 : memref<1x64x128xf32, #tpu.memory_space<vmem>> -> memref<64x128xf32, #tpu.memory_space<vmem>>
      %dma_start3A_119 = tpu.memref_slice %arg5[%multiple_of3A_113] : memref<20480xi32, #tpu.memory_space<vmem>> -> memref<64xi32, #tpu.memory_space<vmem>>
      %dma_start3A_120 = arith.constant 0 : i32
      %dma_start3A_121 = arith.constant 0 : i32
      %dma_start3A_122 = tpu.memref_slice %arg7[%dma_start3A_120, %dma_start3A_121] : memref<10000x128xf32, #tpu.memory_space<vmem_shared>> -> memref<10000x128xf32, #tpu.memory_space<vmem_shared>>
      tpu.enqueue_indirect_dma source(%dma_start3A_122 : memref<10000x128xf32, #tpu.memory_space<vmem_shared>>) target(%dma_start3A_118 : memref<64x128xf32, #tpu.memory_space<vmem>>) offsets(%dma_start3A_119 : memref<64xi32, #tpu.memory_space<vmem>>) semaphore(%arg9 : memref<!tpu.dma_semaphore, #tpu.memory_space<semaphore_mem>>)
      %sub3A = arith.constant 1 : i32
      %sub3A_123 = arith.subi %add3A_105, %sub3A : i32
      %mul3A_124 = arith.constant 64 : i32
      %mul3A_125 = arith.muli %sub3A_123, %mul3A_124 : i32
      %multiple_of3A_126 = tpu.assume_multiple %mul3A_125, 64 : i32
      %dma_wait3A_127 = arith.constant 0 : i32
      %dma_wait3A_128 = arith.constant 0 : i32
      %dma_wait3A_129 = arith.constant 0 : i32
      %dma_wait3A_130 = tpu.memref_slice %arg6[%dma_wait3A_127, %dma_wait3A_128, %dma_wait3A_129] : memref<2x64x128xf32, #tpu.memory_space<vmem>> -> memref<1x64x128xf32, #tpu.memory_space<vmem>>
      %dma_wait3A_131 = tpu.memref_squeeze %dma_wait3A_130 : memref<1x64x128xf32, #tpu.memory_space<vmem>> -> memref<64x128xf32, #tpu.memory_space<vmem>>
      %dma_wait3A_132 = tpu.memref_slice %arg5[%multiple_of3A_126] : memref<20480xi32, #tpu.memory_space<vmem>> -> memref<64xi32, #tpu.memory_space<vmem>>
      %dma_wait3A_133 = arith.constant 0 : i32
      %dma_wait3A_134 = arith.constant 0 : i32
      %dma_wait3A_135 = tpu.memref_slice %arg7[%dma_wait3A_133, %dma_wait3A_134] : memref<10000x128xf32, #tpu.memory_space<vmem_shared>> -> memref<10000x128xf32, #tpu.memory_space<vmem_shared>>
      tpu.wait_indirect_dma semaphore(%arg8 : memref<!tpu.dma_semaphore, #tpu.memory_space<semaphore_mem>>) src(%dma_wait3A_135 : memref<10000x128xf32, #tpu.memory_space<vmem_shared>>) dst(%dma_wait3A_131 : memref<64x128xf32, #tpu.memory_space<vmem>>)
      %sub3A_136 = arith.constant 1 : i32
      %sub3A_137 = arith.subi %add3A_105, %sub3A_136 : i32
      %mul3A_138 = arith.constant 64 : i32
      %mul3A_139 = arith.muli %sub3A_137, %mul3A_138 : i32
      %add3A_140 = arith.addi %multiple_of3A, %mul3A_139 : i32
      %multiple_of3A_141 = tpu.assume_multiple %add3A_140, 64 : i32
      %dma_start3A_142 = arith.constant 0 : i32
      %dma_start3A_143 = arith.constant 0 : i32
      %dma_start3A_144 = arith.constant 0 : i32
      %dma_start3A_145 = tpu.memref_slice %arg6[%dma_start3A_142, %dma_start3A_143, %dma_start3A_144] : memref<2x64x128xf32, #tpu.memory_space<vmem>> -> memref<1x64x128xf32, #tpu.memory_space<vmem>>
      %dma_start3A_146 = tpu.memref_squeeze %dma_start3A_145 : memref<1x64x128xf32, #tpu.memory_space<vmem>> -> memref<64x128xf32, #tpu.memory_space<vmem>>
      %dma_start3A_147 = arith.constant 0 : i32
      %dma_start3A_148 = tpu.memref_slice %arg4[%multiple_of3A_141, %dma_start3A_147] : memref<655360x128xf32, #tpu.memory_space<hbm>> -> memref<64x128xf32, #tpu.memory_space<hbm>>
      %dma_start3A_149 = arith.constant 0 : i32
      %dma_start3A_150 = tpu.memref_slice %arg4[%multiple_of3A_141, %dma_start3A_149] : memref<655360x128xf32, #tpu.memory_space<hbm>> -> memref<64x128xf32, #tpu.memory_space<hbm>>
      %dma_start3A_151 = arith.constant 0 : i32
      %dma_start3A_152 = arith.constant 0 : i32
      %dma_start3A_153 = tpu.memref_slice %arg6[%dma_start3A_142, %dma_start3A_151, %dma_start3A_152] : memref<2x64x128xf32, #tpu.memory_space<vmem>> -> memref<1x64x128xf32, #tpu.memory_space<vmem>>
      %dma_start3A_154 = tpu.memref_squeeze %dma_start3A_153 : memref<1x64x128xf32, #tpu.memory_space<vmem>> -> memref<64x128xf32, #tpu.memory_space<vmem>>
      tpu.enqueue_dma source(%dma_start3A_154 : memref<64x128xf32, #tpu.memory_space<vmem>>) target(%dma_start3A_150 : memref<64x128xf32, #tpu.memory_space<hbm>>) target_semaphore(%arg10 : memref<!tpu.dma_semaphore, #tpu.memory_space<semaphore_mem>>)
    }
    %scan3A_18 = arith.constant 160 : i32
    %multiple_of3A_19 = arith.constant 20416 : i32
    %multiple_of3A_20 = tpu.assume_multiple %multiple_of3A_19, 64 : i32
    %dma_wait3A = arith.constant 1 : i32
    %dma_wait3A_21 = arith.constant 0 : i32
    %dma_wait3A_22 = arith.constant 0 : i32
    %dma_wait3A_23 = tpu.memref_slice %arg6[%dma_wait3A, %dma_wait3A_21, %dma_wait3A_22] : memref<2x64x128xf32, #tpu.memory_space<vmem>> -> memref<1x64x128xf32, #tpu.memory_space<vmem>>
    %dma_wait3A_24 = tpu.memref_squeeze %dma_wait3A_23 : memref<1x64x128xf32, #tpu.memory_space<vmem>> -> memref<64x128xf32, #tpu.memory_space<vmem>>
    %dma_wait3A_25 = tpu.memref_slice %arg5[%multiple_of3A_20] : memref<20480xi32, #tpu.memory_space<vmem>> -> memref<64xi32, #tpu.memory_space<vmem>>
    %dma_wait3A_26 = arith.constant 0 : i32
    %dma_wait3A_27 = arith.constant 0 : i32
    %dma_wait3A_28 = tpu.memref_slice %arg7[%dma_wait3A_26, %dma_wait3A_27] : memref<10000x128xf32, #tpu.memory_space<vmem_shared>> -> memref<10000x128xf32, #tpu.memory_space<vmem_shared>>
    tpu.wait_indirect_dma semaphore(%arg9 : memref<!tpu.dma_semaphore, #tpu.memory_space<semaphore_mem>>) src(%dma_wait3A_28 : memref<10000x128xf32, #tpu.memory_space<vmem_shared>>) dst(%dma_wait3A_24 : memref<64x128xf32, #tpu.memory_space<vmem>>)
    %add3A_29 = arith.constant 20416 : i32
    %add3A_30 = arith.addi %multiple_of3A, %add3A_29 : i32
    %multiple_of3A_31 = tpu.assume_multiple %add3A_30, 64 : i32
    %dma_start3A = arith.constant 1 : i32
    %dma_start3A_32 = arith.constant 0 : i32
    %dma_start3A_33 = arith.constant 0 : i32
    %dma_start3A_34 = tpu.memref_slice %arg6[%dma_start3A, %dma_start3A_32, %dma_start3A_33] : memref<2x64x128xf32, #tpu.memory_space<vmem>> -> memref<1x64x128xf32, #tpu.memory_space<vmem>>
    %dma_start3A_35 = tpu.memref_squeeze %dma_start3A_34 : memref<1x64x128xf32, #tpu.memory_space<vmem>> -> memref<64x128xf32, #tpu.memory_space<vmem>>
    %dma_start3A_36 = arith.constant 0 : i32
    %dma_start3A_37 = tpu.memref_slice %arg4[%multiple_of3A_31, %dma_start3A_36] : memref<655360x128xf32, #tpu.memory_space<hbm>> -> memref<64x128xf32, #tpu.memory_space<hbm>>
    %dma_start3A_38 = arith.constant 0 : i32
    %dma_start3A_39 = tpu.memref_slice %arg4[%multiple_of3A_31, %dma_start3A_38] : memref<655360x128xf32, #tpu.memory_space<hbm>> -> memref<64x128xf32, #tpu.memory_space<hbm>>
    %dma_start3A_40 = arith.constant 0 : i32
    %dma_start3A_41 = arith.constant 0 : i32
    %dma_start3A_42 = tpu.memref_slice %arg6[%dma_start3A, %dma_start3A_40, %dma_start3A_41] : memref<2x64x128xf32, #tpu.memory_space<vmem>> -> memref<1x64x128xf32, #tpu.memory_space<vmem>>
    %dma_start3A_43 = tpu.memref_squeeze %dma_start3A_42 : memref<1x64x128xf32, #tpu.memory_space<vmem>> -> memref<64x128xf32, #tpu.memory_space<vmem>>
    tpu.enqueue_dma source(%dma_start3A_43 : memref<64x128xf32, #tpu.memory_space<vmem>>) target(%dma_start3A_39 : memref<64x128xf32, #tpu.memory_space<hbm>>) target_semaphore(%arg11 : memref<!tpu.dma_semaphore, #tpu.memory_space<semaphore_mem>>)
    %add3A_44 = arith.constant 20352 : i32
    %add3A_45 = arith.addi %multiple_of3A, %add3A_44 : i32
    %multiple_of3A_46 = tpu.assume_multiple %add3A_45, 64 : i32
    %dma_wait3A_47 = arith.constant 0 : i32
    %dma_wait3A_48 = arith.constant 0 : i32
    %dma_wait3A_49 = arith.constant 0 : i32
    %dma_wait3A_50 = tpu.memref_slice %arg6[%dma_wait3A_47, %dma_wait3A_48, %dma_wait3A_49] : memref<2x64x128xf32, #tpu.memory_space<vmem>> -> memref<1x64x128xf32, #tpu.memory_space<vmem>>
    %dma_wait3A_51 = tpu.memref_squeeze %dma_wait3A_50 : memref<1x64x128xf32, #tpu.memory_space<vmem>> -> memref<64x128xf32, #tpu.memory_space<vmem>>
    %dma_wait3A_52 = arith.constant 0 : i32
    %dma_wait3A_53 = tpu.memref_slice %arg4[%multiple_of3A_46, %dma_wait3A_52] : memref<655360x128xf32, #tpu.memory_space<hbm>> -> memref<64x128xf32, #tpu.memory_space<hbm>>
    %dma_wait3A_54 = arith.constant 0 : i32
    %dma_wait3A_55 = tpu.memref_slice %arg4[%multiple_of3A_46, %dma_wait3A_54] : memref<655360x128xf32, #tpu.memory_space<hbm>> -> memref<64x128xf32, #tpu.memory_space<hbm>>
    %dma_wait3A_56 = arith.constant 0 : i32
    %dma_wait3A_57 = arith.constant 0 : i32
    %dma_wait3A_58 = tpu.memref_slice %arg6[%dma_wait3A_47, %dma_wait3A_56, %dma_wait3A_57] : memref<2x64x128xf32, #tpu.memory_space<vmem>> -> memref<1x64x128xf32, #tpu.memory_space<vmem>>
    %dma_wait3A_59 = tpu.memref_squeeze %dma_wait3A_58 : memref<1x64x128xf32, #tpu.memory_space<vmem>> -> memref<64x128xf32, #tpu.memory_space<vmem>>
    tpu.wait_dma2 semaphore(%arg10 : memref<!tpu.dma_semaphore, #tpu.memory_space<semaphore_mem>>) src(%dma_wait3A_59 : memref<64x128xf32, #tpu.memory_space<vmem>>) dst(%dma_wait3A_55 : memref<64x128xf32, #tpu.memory_space<hbm>>)
    %add3A_60 = arith.constant 20416 : i32
    %add3A_61 = arith.addi %multiple_of3A, %add3A_60 : i32
    %multiple_of3A_62 = tpu.assume_multiple %add3A_61, 64 : i32
    %dma_wait3A_63 = arith.constant 1 : i32
    %dma_wait3A_64 = arith.constant 0 : i32
    %dma_wait3A_65 = arith.constant 0 : i32
    %dma_wait3A_66 = tpu.memref_slice %arg6[%dma_wait3A_63, %dma_wait3A_64, %dma_wait3A_65] : memref<2x64x128xf32, #tpu.memory_space<vmem>> -> memref<1x64x128xf32, #tpu.memory_space<vmem>>
    %dma_wait3A_67 = tpu.memref_squeeze %dma_wait3A_66 : memref<1x64x128xf32, #tpu.memory_space<vmem>> -> memref<64x128xf32, #tpu.memory_space<vmem>>
    %dma_wait3A_68 = arith.constant 0 : i32
    %dma_wait3A_69 = tpu.memref_slice %arg4[%multiple_of3A_62, %dma_wait3A_68] : memref<655360x128xf32, #tpu.memory_space<hbm>> -> memref<64x128xf32, #tpu.memory_space<hbm>>
    %dma_wait3A_70 = arith.constant 0 : i32
    %dma_wait3A_71 = tpu.memref_slice %arg4[%multiple_of3A_62, %dma_wait3A_70] : memref<655360x128xf32, #tpu.memory_space<hbm>> -> memref<64x128xf32, #tpu.memory_space<hbm>>
    %dma_wait3A_72 = arith.constant 0 : i32
    %dma_wait3A_73 = arith.constant 0 : i32
    %dma_wait3A_74 = tpu.memref_slice %arg6[%dma_wait3A_63, %dma_wait3A_72, %dma_wait3A_73] : memref<2x64x128xf32, #tpu.memory_space<vmem>> -> memref<1x64x128xf32, #tpu.memory_space<vmem>>
    %dma_wait3A_75 = tpu.memref_squeeze %dma_wait3A_74 : memref<1x64x128xf32, #tpu.memory_space<vmem>> -> memref<64x128xf32, #tpu.memory_space<vmem>>
    tpu.wait_dma2 semaphore(%arg11 : memref<!tpu.dma_semaphore, #tpu.memory_space<semaphore_mem>>) src(%dma_wait3A_75 : memref<64x128xf32, #tpu.memory_space<vmem>>) dst(%dma_wait3A_71 : memref<64x128xf32, #tpu.memory_space<hbm>>)
    return
  }
}

module attributes {stable_mosaic.version = 14 : i64} {
  func.func @_node_body(%arg0: i32, %arg1: memref<2000x128xf32, #tpu.memory_space<vmem>>, %arg2: memref<2000x128xf32, #tpu.memory_space<vmem>>, %arg3: memref<1x128x128xf32, #tpu.memory_space<vmem>>, %arg4: memref<1x1x128xf32, #tpu.memory_space<vmem>>, %arg5: memref<1x128x128xf32, #tpu.memory_space<vmem>>, %arg6: memref<1x1x128xf32, #tpu.memory_space<vmem>>, %arg7: memref<128x64xf32, #tpu.memory_space<vmem>>, %arg8: memref<1x64xf32, #tpu.memory_space<vmem>>, %arg9: memref<64x1xf32, #tpu.memory_space<vmem>>, %arg10: memref<1x1xf32, #tpu.memory_space<vmem>>, %arg11: memref<128x128xf32, #tpu.memory_space<vmem>>, %arg12: memref<1x128xf32, #tpu.memory_space<vmem>>, %arg13: memref<128x128xf32, #tpu.memory_space<vmem>>, %arg14: memref<1x128xf32, #tpu.memory_space<vmem>>, %arg15: memref<128x128xf32, #tpu.memory_space<vmem>>, %arg16: memref<1x128xf32, #tpu.memory_space<vmem>>, %arg17: memref<1x128x128xf32, #tpu.memory_space<vmem>>, %arg18: memref<128x128xf32, #tpu.memory_space<vmem>>, %arg19: memref<1x128xf32, #tpu.memory_space<vmem>>, %arg20: memref<128x128xf32, #tpu.memory_space<vmem>>, %arg21: memref<1x128xf32, #tpu.memory_space<vmem>>, %arg22: memref<2000x128xf32, #tpu.memory_space<vmem>>, %arg23: memref<128x128xf32, #tpu.memory_space<vmem>>, %arg24: memref<1x128xf32, #tpu.memory_space<vmem>>) attributes {dimension_semantics = [#tpu.dimension_semantics<arbitrary>], iteration_bounds = array<i64: 10>, scalar_prefetch = 0 : i64, scratch_operands = 0 : i64, tpu.core_type = #tpu.core_type<tc>, window_params = [{transform_indices = @transform_0, window_bounds = array<i64: 2000, 128>}, {transform_indices = @transform_1, window_bounds = array<i64: 2000, 128>}, {transform_indices = @transform_2, window_bounds = array<i64: 1, 128, 128>}, {transform_indices = @transform_3, window_bounds = array<i64: 1, 1, 128>}, {transform_indices = @transform_4, window_bounds = array<i64: 1, 128, 128>}, {transform_indices = @transform_5, window_bounds = array<i64: 1, 1, 128>}, {pipeline_mode = #tpu.pipeline_mode<synchronous>, transform_indices = @transform_6, window_bounds = array<i64: 128, 64>}, {pipeline_mode = #tpu.pipeline_mode<synchronous>, transform_indices = @transform_7, window_bounds = array<i64: 1, 64>}, {pipeline_mode = #tpu.pipeline_mode<synchronous>, transform_indices = @transform_8, window_bounds = array<i64: 64, 1>}, {pipeline_mode = #tpu.pipeline_mode<synchronous>, transform_indices = @transform_9, window_bounds = array<i64: 1, 1>}, {pipeline_mode = #tpu.pipeline_mode<synchronous>, transform_indices = @transform_10, window_bounds = array<i64: 128, 128>}, {pipeline_mode = #tpu.pipeline_mode<synchronous>, transform_indices = @transform_11, window_bounds = array<i64: 1, 128>}, {pipeline_mode = #tpu.pipeline_mode<synchronous>, transform_indices = @transform_12, window_bounds = array<i64: 128, 128>}, {pipeline_mode = #tpu.pipeline_mode<synchronous>, transform_indices = @transform_13, window_bounds = array<i64: 1, 128>}, {pipeline_mode = #tpu.pipeline_mode<synchronous>, transform_indices = @transform_14, window_bounds = array<i64: 128, 128>}, {pipeline_mode = #tpu.pipeline_mode<synchronous>, transform_indices = @transform_15, window_bounds = array<i64: 1, 128>}, {transform_indices = @transform_16, window_bounds = array<i64: 1, 128, 128>}, {pipeline_mode = #tpu.pipeline_mode<synchronous>, transform_indices = @transform_17, window_bounds = array<i64: 128, 128>}, {pipeline_mode = #tpu.pipeline_mode<synchronous>, transform_indices = @transform_18, window_bounds = array<i64: 1, 128>}, {pipeline_mode = #tpu.pipeline_mode<synchronous>, transform_indices = @transform_19, window_bounds = array<i64: 128, 128>}, {pipeline_mode = #tpu.pipeline_mode<synchronous>, transform_indices = @transform_20, window_bounds = array<i64: 1, 128>}, {transform_indices = @transform_21, window_bounds = array<i64: 2000, 128>}, {pipeline_mode = #tpu.pipeline_mode<synchronous>, transform_indices = @transform_22, window_bounds = array<i64: 128, 128>}, {pipeline_mode = #tpu.pipeline_mode<synchronous>, transform_indices = @transform_23, window_bounds = array<i64: 1, 128>}]} {
    %ge3A = arith.constant 5 : i32
    %ge3A_0 = arith.cmpi sge, %arg0, %ge3A : i32
    %convert_element_type3A = arith.extui %ge3A_0 : i1 to i32
    %convert_element_type3A_1 = arith.sitofp %convert_element_type3A : i32 to f32
    %get3A = arith.constant 0 : index
    %get3A_2 = arith.constant 0 : index
    %get3A_3 = vector.load %arg1[%get3A, %get3A_2] : memref<2000x128xf32, #tpu.memory_space<vmem>>, vector<2000x128xf32>
    %sub3A = arith.constant 1.000000e+00 : f32
    %sub3A_4 = arith.subf %sub3A, %convert_element_type3A_1 : f32
    %mul3A = vector.broadcast %sub3A_4 : f32 to vector<2000x128xf32>
    %mul3A_5 = arith.mulf %get3A_3, %mul3A : vector<2000x128xf32>
    %get3A_6 = arith.constant 0 : index
    %get3A_7 = arith.constant 0 : index
    %get3A_8 = vector.load %arg2[%get3A_6, %get3A_7] : memref<2000x128xf32, #tpu.memory_space<vmem>>, vector<2000x128xf32>
    %mul3A_9 = vector.broadcast %convert_element_type3A_1 : f32 to vector<2000x128xf32>
    %mul3A_10 = arith.mulf %get3A_8, %mul3A_9 : vector<2000x128xf32>
    %add3A = arith.addf %mul3A_5, %mul3A_10 : vector<2000x128xf32>
    %get3A_11 = arith.constant 0 : index
    %get3A_12 = arith.constant 0 : index
    %get3A_13 = arith.constant 0 : index
    %get3A_14 = vector.load %arg3[%get3A_11, %get3A_12, %get3A_13] : memref<1x128x128xf32, #tpu.memory_space<vmem>>, vector<1x128x128xf32>
    %get3A_15 = vector.shape_cast %get3A_14 : vector<1x128x128xf32> to vector<128x128xf32>
    %dot_general3A = arith.constant dense<0.000000e+00> : vector<2000x128xf32>
    %dot_general3A_16 = tpu.matmul %add3A, %get3A_15, %dot_general3A {dimension_numbers = #tpu.dot_dimension_numbers<[1], [0], [0], [1], [0, 0, 1, 1], [], []>, transpose_lhs_hint = false} : vector<2000x128xf32>, vector<128x128xf32>, vector<2000x128xf32> -> vector<2000x128xf32>
    %get3A_17 = arith.constant 0 : index
    %get3A_18 = arith.constant 0 : index
    %get3A_19 = arith.constant 0 : index
    %get3A_20 = vector.load %arg4[%get3A_17, %get3A_18, %get3A_19] : memref<1x1x128xf32, #tpu.memory_space<vmem>>, vector<1x1x128xf32>
    %get3A_21 = vector.shape_cast %get3A_20 : vector<1x1x128xf32> to vector<1x128xf32>
    %add3A_22 = vector.broadcast %get3A_21 : vector<1x128xf32> to vector<2000x128xf32>
    %add3A_23 = arith.addf %dot_general3A_16, %add3A_22 : vector<2000x128xf32>
    %max3A = arith.constant 0.000000e+00 : f32
    %max3A_24 = vector.broadcast %max3A : f32 to vector<2000x128xf32>
    %max3A_25 = arith.maximumf %add3A_23, %max3A_24 : vector<2000x128xf32>
    %get3A_26 = arith.constant 0 : index
    %get3A_27 = arith.constant 0 : index
    %get3A_28 = arith.constant 0 : index
    %get3A_29 = vector.load %arg5[%get3A_26, %get3A_27, %get3A_28] : memref<1x128x128xf32, #tpu.memory_space<vmem>>, vector<1x128x128xf32>
    %get3A_30 = vector.shape_cast %get3A_29 : vector<1x128x128xf32> to vector<128x128xf32>
    %dot_general3A_31 = arith.constant dense<0.000000e+00> : vector<2000x128xf32>
    %dot_general3A_32 = tpu.matmul %max3A_25, %get3A_30, %dot_general3A_31 {dimension_numbers = #tpu.dot_dimension_numbers<[1], [0], [0], [1], [0, 0, 1, 1], [], []>, transpose_lhs_hint = false} : vector<2000x128xf32>, vector<128x128xf32>, vector<2000x128xf32> -> vector<2000x128xf32>
    %get3A_33 = arith.constant 0 : index
    %get3A_34 = arith.constant 0 : index
    %get3A_35 = arith.constant 0 : index
    %get3A_36 = vector.load %arg6[%get3A_33, %get3A_34, %get3A_35] : memref<1x1x128xf32, #tpu.memory_space<vmem>>, vector<1x1x128xf32>
    %get3A_37 = vector.shape_cast %get3A_36 : vector<1x1x128xf32> to vector<1x128xf32>
    %add3A_38 = vector.broadcast %get3A_37 : vector<1x128xf32> to vector<2000x128xf32>
    %add3A_39 = arith.addf %dot_general3A_32, %add3A_38 : vector<2000x128xf32>
    %get3A_40 = arith.constant 0 : index
    %get3A_41 = arith.constant 0 : index
    %get3A_42 = vector.load %arg7[%get3A_40, %get3A_41] : memref<128x64xf32, #tpu.memory_space<vmem>>, vector<128x64xf32>
    %dot_general3A_43 = arith.constant dense<0.000000e+00> : vector<2000x64xf32>
    %dot_general3A_44 = tpu.matmul %add3A_39, %get3A_42, %dot_general3A_43 {dimension_numbers = #tpu.dot_dimension_numbers<[1], [0], [0], [1], [0, 0, 1, 1], [], []>, transpose_lhs_hint = false} : vector<2000x128xf32>, vector<128x64xf32>, vector<2000x64xf32> -> vector<2000x64xf32>
    %get3A_45 = arith.constant 0 : index
    %get3A_46 = arith.constant 0 : index
    %get3A_47 = vector.load %arg8[%get3A_45, %get3A_46] : memref<1x64xf32, #tpu.memory_space<vmem>>, vector<1x64xf32>
    %add3A_48 = vector.broadcast %get3A_47 : vector<1x64xf32> to vector<2000x64xf32>
    %add3A_49 = arith.addf %dot_general3A_44, %add3A_48 : vector<2000x64xf32>
    %max3A_50 = arith.constant 0.000000e+00 : f32
    %max3A_51 = vector.broadcast %max3A_50 : f32 to vector<2000x64xf32>
    %max3A_52 = arith.maximumf %add3A_49, %max3A_51 : vector<2000x64xf32>
    %get3A_53 = arith.constant 0 : index
    %get3A_54 = arith.constant 0 : index
    %get3A_55 = vector.load %arg9[%get3A_53, %get3A_54] : memref<64x1xf32, #tpu.memory_space<vmem>>, vector<64x1xf32>
    %dot_general3A_56 = arith.constant dense<0.000000e+00> : vector<2000x1xf32>
    %dot_general3A_57 = tpu.matmul %max3A_52, %get3A_55, %dot_general3A_56 {dimension_numbers = #tpu.dot_dimension_numbers<[1], [0], [0], [1], [0, 0, 1, 1], [], []>, transpose_lhs_hint = false} : vector<2000x64xf32>, vector<64x1xf32>, vector<2000x1xf32> -> vector<2000x1xf32>
    %get3A_58 = arith.constant 0 : index
    %get3A_59 = arith.constant 0 : index
    %get3A_60 = vector.load %arg10[%get3A_58, %get3A_59] : memref<1x1xf32, #tpu.memory_space<vmem>>, vector<1x1xf32>
    %add3A_61 = vector.broadcast %get3A_60 : vector<1x1xf32> to vector<2000x1xf32>
    %add3A_62 = arith.addf %dot_general3A_57, %add3A_61 : vector<2000x1xf32>
    %logistic3A = arith.negf %add3A_62 : vector<2000x1xf32>
    %logistic3A_63 = math.exp %logistic3A : vector<2000x1xf32>
    %logistic3A_64 = arith.constant 1.000000e+00 : f32
    %logistic3A_65 = vector.broadcast %logistic3A_64 : f32 to vector<2000x1xf32>
    %logistic3A_66 = arith.addf %logistic3A_65, %logistic3A_63 : vector<2000x1xf32>
    %logistic3A_67 = arith.divf %logistic3A_65, %logistic3A_66 : vector<2000x1xf32>
    %get3A_68 = arith.constant 0 : index
    %get3A_69 = arith.constant 0 : index
    %get3A_70 = vector.load %arg11[%get3A_68, %get3A_69] : memref<128x128xf32, #tpu.memory_space<vmem>>, vector<128x128xf32>
    %dot_general3A_71 = arith.constant dense<0.000000e+00> : vector<2000x128xf32>
    %dot_general3A_72 = tpu.matmul %add3A_39, %get3A_70, %dot_general3A_71 {dimension_numbers = #tpu.dot_dimension_numbers<[1], [0], [0], [1], [0, 0, 1, 1], [], []>, transpose_lhs_hint = false} : vector<2000x128xf32>, vector<128x128xf32>, vector<2000x128xf32> -> vector<2000x128xf32>
    %get3A_73 = arith.constant 0 : index
    %get3A_74 = arith.constant 0 : index
    %get3A_75 = vector.load %arg12[%get3A_73, %get3A_74] : memref<1x128xf32, #tpu.memory_space<vmem>>, vector<1x128xf32>
    %add3A_76 = vector.broadcast %get3A_75 : vector<1x128xf32> to vector<2000x128xf32>
    %add3A_77 = arith.addf %dot_general3A_72, %add3A_76 : vector<2000x128xf32>
    %max3A_78 = arith.constant 0.000000e+00 : f32
    %max3A_79 = vector.broadcast %max3A_78 : f32 to vector<2000x128xf32>
    %max3A_80 = arith.maximumf %add3A_77, %max3A_79 : vector<2000x128xf32>
    %get3A_81 = arith.constant 0 : index
    %get3A_82 = arith.constant 0 : index
    %get3A_83 = vector.load %arg13[%get3A_81, %get3A_82] : memref<128x128xf32, #tpu.memory_space<vmem>>, vector<128x128xf32>
    %dot_general3A_84 = arith.constant dense<0.000000e+00> : vector<2000x128xf32>
    %dot_general3A_85 = tpu.matmul %max3A_80, %get3A_83, %dot_general3A_84 {dimension_numbers = #tpu.dot_dimension_numbers<[1], [0], [0], [1], [0, 0, 1, 1], [], []>, transpose_lhs_hint = false} : vector<2000x128xf32>, vector<128x128xf32>, vector<2000x128xf32> -> vector<2000x128xf32>
    %get3A_86 = arith.constant 0 : index
    %get3A_87 = arith.constant 0 : index
    %get3A_88 = vector.load %arg14[%get3A_86, %get3A_87] : memref<1x128xf32, #tpu.memory_space<vmem>>, vector<1x128xf32>
    %add3A_89 = vector.broadcast %get3A_88 : vector<1x128xf32> to vector<2000x128xf32>
    %add3A_90 = arith.addf %dot_general3A_85, %add3A_89 : vector<2000x128xf32>
    %mul3A_91 = vector.broadcast %logistic3A_67 : vector<2000x1xf32> to vector<2000x128xf32>
    %mul3A_92 = arith.mulf %add3A_90, %mul3A_91 : vector<2000x128xf32>
    %add3A_93 = arith.addf %add3A_39, %mul3A_92 : vector<2000x128xf32>
    %get3A_94 = arith.constant 0 : index
    %get3A_95 = arith.constant 0 : index
    %get3A_96 = vector.load %arg15[%get3A_94, %get3A_95] : memref<128x128xf32, #tpu.memory_space<vmem>>, vector<128x128xf32>
    %dot_general3A_97 = arith.constant dense<0.000000e+00> : vector<2000x128xf32>
    %dot_general3A_98 = tpu.matmul %add3A_93, %get3A_96, %dot_general3A_97 {dimension_numbers = #tpu.dot_dimension_numbers<[1], [0], [0], [1], [0, 0, 1, 1], [], []>, transpose_lhs_hint = false} : vector<2000x128xf32>, vector<128x128xf32>, vector<2000x128xf32> -> vector<2000x128xf32>
    %get3A_99 = arith.constant 0 : index
    %get3A_100 = arith.constant 0 : index
    %get3A_101 = vector.load %arg16[%get3A_99, %get3A_100] : memref<1x128xf32, #tpu.memory_space<vmem>>, vector<1x128xf32>
    %add3A_102 = vector.broadcast %get3A_101 : vector<1x128xf32> to vector<2000x128xf32>
    %add3A_103 = arith.addf %dot_general3A_98, %add3A_102 : vector<2000x128xf32>
    %get3A_104 = arith.constant 0 : index
    %get3A_105 = arith.constant 0 : index
    %get3A_106 = arith.constant 0 : index
    %get3A_107 = vector.load %arg17[%get3A_104, %get3A_105, %get3A_106] : memref<1x128x128xf32, #tpu.memory_space<vmem>>, vector<1x128x128xf32>
    %get3A_108 = vector.shape_cast %get3A_107 : vector<1x128x128xf32> to vector<128x128xf32>
    %dot_general3A_109 = arith.constant dense<0.000000e+00> : vector<2000x128xf32>
    %dot_general3A_110 = tpu.matmul %add3A_103, %get3A_108, %dot_general3A_109 {dimension_numbers = #tpu.dot_dimension_numbers<[1], [0], [0], [1], [0, 0, 1, 1], [], []>, transpose_lhs_hint = false} : vector<2000x128xf32>, vector<128x128xf32>, vector<2000x128xf32> -> vector<2000x128xf32>
    %swap3A = arith.constant 0 : index
    %swap3A_111 = arith.constant 0 : index
    %swap3A_112 = vector.load %arg22[%swap3A, %swap3A_111] : memref<2000x128xf32, #tpu.memory_space<vmem>>, vector<2000x128xf32>
    tpu.vector_store %arg22[%swap3A, %swap3A_111], %dot_general3A_110 {strides = array<i32>} : memref<2000x128xf32, #tpu.memory_space<vmem>>, vector<2000x128xf32>,
    %get3A_113 = arith.constant 0 : index
    %get3A_114 = arith.constant 0 : index
    %get3A_115 = vector.load %arg18[%get3A_113, %get3A_114] : memref<128x128xf32, #tpu.memory_space<vmem>>, vector<128x128xf32>
    %get3A_116 = arith.constant 0 : index
    %get3A_117 = arith.constant 0 : index
    %get3A_118 = vector.load %arg20[%get3A_116, %get3A_117] : memref<128x128xf32, #tpu.memory_space<vmem>>, vector<128x128xf32>
    %dot_general3A_119 = arith.constant dense<0.000000e+00> : vector<128x128xf32>
    %dot_general3A_120 = tpu.matmul %get3A_115, %get3A_118, %dot_general3A_119 {dimension_numbers = #tpu.dot_dimension_numbers<[1], [0], [0], [1], [0, 0, 1, 1], [], []>, transpose_lhs_hint = false} : vector<128x128xf32>, vector<128x128xf32>, vector<128x128xf32> -> vector<128x128xf32>
    %swap3A_121 = arith.constant 0 : index
    %swap3A_122 = arith.constant 0 : index
    %swap3A_123 = vector.load %arg23[%swap3A_121, %swap3A_122] : memref<128x128xf32, #tpu.memory_space<vmem>>, vector<128x128xf32>
    tpu.vector_store %arg23[%swap3A_121, %swap3A_122], %dot_general3A_120 {strides = array<i32>} : memref<128x128xf32, #tpu.memory_space<vmem>>, vector<128x128xf32>,
    %get3A_124 = arith.constant 0 : index
    %get3A_125 = arith.constant 0 : index
    %get3A_126 = vector.load %arg21[%get3A_124, %get3A_125] : memref<1x128xf32, #tpu.memory_space<vmem>>, vector<1x128xf32>
    %get3A_127 = arith.constant 0 : index
    %get3A_128 = arith.constant 0 : index
    %get3A_129 = vector.load %arg19[%get3A_127, %get3A_128] : memref<1x128xf32, #tpu.memory_space<vmem>>, vector<1x128xf32>
    %get3A_130 = arith.constant 0 : index
    %get3A_131 = arith.constant 0 : index
    %get3A_132 = vector.load %arg20[%get3A_130, %get3A_131] : memref<128x128xf32, #tpu.memory_space<vmem>>, vector<128x128xf32>
    %dot_general3A_133 = arith.constant dense<0.000000e+00> : vector<1x128xf32>
    %dot_general3A_134 = tpu.matmul %get3A_129, %get3A_132, %dot_general3A_133 {dimension_numbers = #tpu.dot_dimension_numbers<[1], [0], [0], [1], [0, 0, 1, 1], [], []>, transpose_lhs_hint = false} : vector<1x128xf32>, vector<128x128xf32>, vector<1x128xf32> -> vector<1x128xf32>
    %add3A_135 = arith.addf %get3A_126, %dot_general3A_134 : vector<1x128xf32>
    %swap3A_136 = arith.constant 0 : index
    %swap3A_137 = arith.constant 0 : index
    %swap3A_138 = vector.load %arg24[%swap3A_136, %swap3A_137] : memref<1x128xf32, #tpu.memory_space<vmem>>, vector<1x128xf32>
    tpu.vector_store %arg24[%swap3A_136, %swap3A_137], %add3A_135 {strides = array<i32>} : memref<1x128xf32, #tpu.memory_space<vmem>>, vector<1x128xf32>,
    return
  }
  func.func @transform_0(%arg0: i32) -> (i32, i32) {
    %jit3A = arith.constant 5 : i32
    %eq3A = arith.constant 0 : i32
    %eq3A_0 = arith.cmpi eq, %jit3A, %eq3A : i32
    %jit3A_1 = arith.constant 1 : i32
    %select_n3A = arith.select %eq3A_0, %jit3A_1, %jit3A : i32
    %rem3A = arith.remsi %arg0, %select_n3A : i32
    %ne3A = arith.constant 0 : i32
    %ne3A_2 = arith.cmpi ne, %rem3A, %ne3A : i32
    %lt3A = arith.constant 0 : i32
    %lt3A_3 = arith.cmpi slt, %rem3A, %lt3A : i32
    %lt3A_4 = arith.constant 0 : i32
    %lt3A_5 = arith.cmpi slt, %select_n3A, %lt3A_4 : i32
    %ne3A_6 = arith.xori %lt3A_3, %lt3A_5 : i1
    %and3A = arith.andi %ne3A_6, %ne3A_2 : i1
    %add3A = arith.addi %rem3A, %select_n3A : i32
    %select_n3A_7 = arith.select %and3A, %add3A, %rem3A : i32
    %c0_i32 = arith.constant 0 : i32
    %c0_i32_8 = arith.constant 0 : i32
    return %select_n3A_7, %c0_i32 : i32, i32
  }
  func.func @transform_1(%arg0: i32) -> (i32, i32) {
    %jit3A = arith.constant 5 : i32
    %eq3A = arith.constant 0 : i32
    %eq3A_0 = arith.cmpi eq, %jit3A, %eq3A : i32
    %jit3A_1 = arith.constant 1 : i32
    %select_n3A = arith.select %eq3A_0, %jit3A_1, %jit3A : i32
    %rem3A = arith.remsi %arg0, %select_n3A : i32
    %ne3A = arith.constant 0 : i32
    %ne3A_2 = arith.cmpi ne, %rem3A, %ne3A : i32
    %lt3A = arith.constant 0 : i32
    %lt3A_3 = arith.cmpi slt, %rem3A, %lt3A : i32
    %lt3A_4 = arith.constant 0 : i32
    %lt3A_5 = arith.cmpi slt, %select_n3A, %lt3A_4 : i32
    %ne3A_6 = arith.xori %lt3A_3, %lt3A_5 : i1
    %and3A = arith.andi %ne3A_6, %ne3A_2 : i1
    %add3A = arith.addi %rem3A, %select_n3A : i32
    %select_n3A_7 = arith.select %and3A, %add3A, %rem3A : i32
    %c0_i32 = arith.constant 0 : i32
    %c0_i32_8 = arith.constant 0 : i32
    return %select_n3A_7, %c0_i32 : i32, i32
  }
  func.func @transform_2(%arg0: i32) -> (i32, i32, i32) {
    %jit3A = arith.constant 5 : i32
    %div3A = arith.divsi %arg0, %jit3A : i32
    %sign3A = arith.constant 0 : i32
    %sign3A_0 = arith.cmpi sgt, %arg0, %sign3A : i32
    %sign3A_1 = arith.extui %sign3A_0 : i1 to i32
    %sign3A_2 = arith.constant 0 : i32
    %sign3A_3 = arith.cmpi slt, %arg0, %sign3A_2 : i32
    %sign3A_4 = arith.extui %sign3A_3 : i1 to i32
    %sign3A_5 = arith.subi %sign3A_1, %sign3A_4 : i32
    %sign3A_6 = arith.constant 0 : i32
    %sign3A_7 = arith.cmpi sgt, %jit3A, %sign3A_6 : i32
    %sign3A_8 = arith.extui %sign3A_7 : i1 to i32
    %sign3A_9 = arith.constant 0 : i32
    %sign3A_10 = arith.cmpi slt, %jit3A, %sign3A_9 : i32
    %sign3A_11 = arith.extui %sign3A_10 : i1 to i32
    %sign3A_12 = arith.subi %sign3A_8, %sign3A_11 : i32
    %ne3A = arith.cmpi ne, %sign3A_5, %sign3A_12 : i32
    %rem3A = arith.remsi %arg0, %jit3A : i32
    %ne3A_13 = arith.constant 0 : i32
    %ne3A_14 = arith.cmpi ne, %rem3A, %ne3A_13 : i32
    %and3A = arith.andi %ne3A, %ne3A_14 : i1
    %sub3A = arith.constant 1 : i32
    %sub3A_15 = arith.subi %div3A, %sub3A : i32
    %select_n3A = arith.select %and3A, %sub3A_15, %div3A : i32
    %c0_i32 = arith.constant 0 : i32
    %c0_i32_16 = arith.constant 0 : i32
    %c0_i32_17 = arith.constant 0 : i32
    return %select_n3A, %c0_i32, %c0_i32_16 : i32, i32, i32
  }
  func.func @transform_3(%arg0: i32) -> (i32, i32, i32) {
    %jit3A = arith.constant 5 : i32
    %div3A = arith.divsi %arg0, %jit3A : i32
    %sign3A = arith.constant 0 : i32
    %sign3A_0 = arith.cmpi sgt, %arg0, %sign3A : i32
    %sign3A_1 = arith.extui %sign3A_0 : i1 to i32
    %sign3A_2 = arith.constant 0 : i32
    %sign3A_3 = arith.cmpi slt, %arg0, %sign3A_2 : i32
    %sign3A_4 = arith.extui %sign3A_3 : i1 to i32
    %sign3A_5 = arith.subi %sign3A_1, %sign3A_4 : i32
    %sign3A_6 = arith.constant 0 : i32
    %sign3A_7 = arith.cmpi sgt, %jit3A, %sign3A_6 : i32
    %sign3A_8 = arith.extui %sign3A_7 : i1 to i32
    %sign3A_9 = arith.constant 0 : i32
    %sign3A_10 = arith.cmpi slt, %jit3A, %sign3A_9 : i32
    %sign3A_11 = arith.extui %sign3A_10 : i1 to i32
    %sign3A_12 = arith.subi %sign3A_8, %sign3A_11 : i32
    %ne3A = arith.cmpi ne, %sign3A_5, %sign3A_12 : i32
    %rem3A = arith.remsi %arg0, %jit3A : i32
    %ne3A_13 = arith.constant 0 : i32
    %ne3A_14 = arith.cmpi ne, %rem3A, %ne3A_13 : i32
    %and3A = arith.andi %ne3A, %ne3A_14 : i1
    %sub3A = arith.constant 1 : i32
    %sub3A_15 = arith.subi %div3A, %sub3A : i32
    %select_n3A = arith.select %and3A, %sub3A_15, %div3A : i32
    %c0_i32 = arith.constant 0 : i32
    %c0_i32_16 = arith.constant 0 : i32
    %c0_i32_17 = arith.constant 0 : i32
    return %select_n3A, %c0_i32, %c0_i32_16 : i32, i32, i32
  }
  func.func @transform_4(%arg0: i32) -> (i32, i32, i32) {
    %jit3A = arith.constant 5 : i32
    %div3A = arith.divsi %arg0, %jit3A : i32
    %sign3A = arith.constant 0 : i32
    %sign3A_0 = arith.cmpi sgt, %arg0, %sign3A : i32
    %sign3A_1 = arith.extui %sign3A_0 : i1 to i32
    %sign3A_2 = arith.constant 0 : i32
    %sign3A_3 = arith.cmpi slt, %arg0, %sign3A_2 : i32
    %sign3A_4 = arith.extui %sign3A_3 : i1 to i32
    %sign3A_5 = arith.subi %sign3A_1, %sign3A_4 : i32
    %sign3A_6 = arith.constant 0 : i32
    %sign3A_7 = arith.cmpi sgt, %jit3A, %sign3A_6 : i32
    %sign3A_8 = arith.extui %sign3A_7 : i1 to i32
    %sign3A_9 = arith.constant 0 : i32
    %sign3A_10 = arith.cmpi slt, %jit3A, %sign3A_9 : i32
    %sign3A_11 = arith.extui %sign3A_10 : i1 to i32
    %sign3A_12 = arith.subi %sign3A_8, %sign3A_11 : i32
    %ne3A = arith.cmpi ne, %sign3A_5, %sign3A_12 : i32
    %rem3A = arith.remsi %arg0, %jit3A : i32
    %ne3A_13 = arith.constant 0 : i32
    %ne3A_14 = arith.cmpi ne, %rem3A, %ne3A_13 : i32
    %and3A = arith.andi %ne3A, %ne3A_14 : i1
    %sub3A = arith.constant 1 : i32
    %sub3A_15 = arith.subi %div3A, %sub3A : i32
    %select_n3A = arith.select %and3A, %sub3A_15, %div3A : i32
    %c0_i32 = arith.constant 0 : i32
    %c0_i32_16 = arith.constant 0 : i32
    %c0_i32_17 = arith.constant 0 : i32
    return %select_n3A, %c0_i32, %c0_i32_16 : i32, i32, i32
  }
  func.func @transform_5(%arg0: i32) -> (i32, i32, i32) {
    %jit3A = arith.constant 5 : i32
    %div3A = arith.divsi %arg0, %jit3A : i32
    %sign3A = arith.constant 0 : i32
    %sign3A_0 = arith.cmpi sgt, %arg0, %sign3A : i32
    %sign3A_1 = arith.extui %sign3A_0 : i1 to i32
    %sign3A_2 = arith.constant 0 : i32
    %sign3A_3 = arith.cmpi slt, %arg0, %sign3A_2 : i32
    %sign3A_4 = arith.extui %sign3A_3 : i1 to i32
    %sign3A_5 = arith.subi %sign3A_1, %sign3A_4 : i32
    %sign3A_6 = arith.constant 0 : i32
    %sign3A_7 = arith.cmpi sgt, %jit3A, %sign3A_6 : i32
    %sign3A_8 = arith.extui %sign3A_7 : i1 to i32
    %sign3A_9 = arith.constant 0 : i32
    %sign3A_10 = arith.cmpi slt, %jit3A, %sign3A_9 : i32
    %sign3A_11 = arith.extui %sign3A_10 : i1 to i32
    %sign3A_12 = arith.subi %sign3A_8, %sign3A_11 : i32
    %ne3A = arith.cmpi ne, %sign3A_5, %sign3A_12 : i32
    %rem3A = arith.remsi %arg0, %jit3A : i32
    %ne3A_13 = arith.constant 0 : i32
    %ne3A_14 = arith.cmpi ne, %rem3A, %ne3A_13 : i32
    %and3A = arith.andi %ne3A, %ne3A_14 : i1
    %sub3A = arith.constant 1 : i32
    %sub3A_15 = arith.subi %div3A, %sub3A : i32
    %select_n3A = arith.select %and3A, %sub3A_15, %div3A : i32
    %c0_i32 = arith.constant 0 : i32
    %c0_i32_16 = arith.constant 0 : i32
    %c0_i32_17 = arith.constant 0 : i32
    return %select_n3A, %c0_i32, %c0_i32_16 : i32, i32, i32
  }
  func.func @transform_6(%arg0: i32) -> (i32, i32) {
    %c0_i32 = arith.constant 0 : i32
    %c0_i32_0 = arith.constant 0 : i32
    %c0_i32_1 = arith.constant 0 : i32
    return %c0_i32, %c0_i32_0 : i32, i32
  }
  func.func @transform_7(%arg0: i32) -> (i32, i32) {
    %c0_i32 = arith.constant 0 : i32
    %c0_i32_0 = arith.constant 0 : i32
    %c0_i32_1 = arith.constant 0 : i32
    return %c0_i32, %c0_i32_0 : i32, i32
  }
  func.func @transform_8(%arg0: i32) -> (i32, i32) {
    %c0_i32 = arith.constant 0 : i32
    %c0_i32_0 = arith.constant 0 : i32
    %c0_i32_1 = arith.constant 0 : i32
    return %c0_i32, %c0_i32_0 : i32, i32
  }
  func.func @transform_9(%arg0: i32) -> (i32, i32) {
    %c0_i32 = arith.constant 0 : i32
    %c0_i32_0 = arith.constant 0 : i32
    %c0_i32_1 = arith.constant 0 : i32
    return %c0_i32, %c0_i32_0 : i32, i32
  }
  func.func @transform_10(%arg0: i32) -> (i32, i32) {
    %c0_i32 = arith.constant 0 : i32
    %c0_i32_0 = arith.constant 0 : i32
    %c0_i32_1 = arith.constant 0 : i32
    return %c0_i32, %c0_i32_0 : i32, i32
  }
  func.func @transform_11(%arg0: i32) -> (i32, i32) {
    %c0_i32 = arith.constant 0 : i32
    %c0_i32_0 = arith.constant 0 : i32
    %c0_i32_1 = arith.constant 0 : i32
    return %c0_i32, %c0_i32_0 : i32, i32
  }
  func.func @transform_12(%arg0: i32) -> (i32, i32) {
    %c0_i32 = arith.constant 0 : i32
    %c0_i32_0 = arith.constant 0 : i32
    %c0_i32_1 = arith.constant 0 : i32
    return %c0_i32, %c0_i32_0 : i32, i32
  }
  func.func @transform_13(%arg0: i32) -> (i32, i32) {
    %c0_i32 = arith.constant 0 : i32
    %c0_i32_0 = arith.constant 0 : i32
    %c0_i32_1 = arith.constant 0 : i32
    return %c0_i32, %c0_i32_0 : i32, i32
  }
  func.func @transform_14(%arg0: i32) -> (i32, i32) {
    %c0_i32 = arith.constant 0 : i32
    %c0_i32_0 = arith.constant 0 : i32
    %c0_i32_1 = arith.constant 0 : i32
    return %c0_i32, %c0_i32_0 : i32, i32
  }
  func.func @transform_15(%arg0: i32) -> (i32, i32) {
    %c0_i32 = arith.constant 0 : i32
    %c0_i32_0 = arith.constant 0 : i32
    %c0_i32_1 = arith.constant 0 : i32
    return %c0_i32, %c0_i32_0 : i32, i32
  }
  func.func @transform_16(%arg0: i32) -> (i32, i32, i32) {
    %jit3A = arith.constant 5 : i32
    %div3A = arith.divsi %arg0, %jit3A : i32
    %sign3A = arith.constant 0 : i32
    %sign3A_0 = arith.cmpi sgt, %arg0, %sign3A : i32
    %sign3A_1 = arith.extui %sign3A_0 : i1 to i32
    %sign3A_2 = arith.constant 0 : i32
    %sign3A_3 = arith.cmpi slt, %arg0, %sign3A_2 : i32
    %sign3A_4 = arith.extui %sign3A_3 : i1 to i32
    %sign3A_5 = arith.subi %sign3A_1, %sign3A_4 : i32
    %sign3A_6 = arith.constant 0 : i32
    %sign3A_7 = arith.cmpi sgt, %jit3A, %sign3A_6 : i32
    %sign3A_8 = arith.extui %sign3A_7 : i1 to i32
    %sign3A_9 = arith.constant 0 : i32
    %sign3A_10 = arith.cmpi slt, %jit3A, %sign3A_9 : i32
    %sign3A_11 = arith.extui %sign3A_10 : i1 to i32
    %sign3A_12 = arith.subi %sign3A_8, %sign3A_11 : i32
    %ne3A = arith.cmpi ne, %sign3A_5, %sign3A_12 : i32
    %rem3A = arith.remsi %arg0, %jit3A : i32
    %ne3A_13 = arith.constant 0 : i32
    %ne3A_14 = arith.cmpi ne, %rem3A, %ne3A_13 : i32
    %and3A = arith.andi %ne3A, %ne3A_14 : i1
    %sub3A = arith.constant 1 : i32
    %sub3A_15 = arith.subi %div3A, %sub3A : i32
    %select_n3A = arith.select %and3A, %sub3A_15, %div3A : i32
    %c0_i32 = arith.constant 0 : i32
    %c0_i32_16 = arith.constant 0 : i32
    %c0_i32_17 = arith.constant 0 : i32
    return %select_n3A, %c0_i32, %c0_i32_16 : i32, i32, i32
  }
  func.func @transform_17(%arg0: i32) -> (i32, i32) {
    %c0_i32 = arith.constant 0 : i32
    %c0_i32_0 = arith.constant 0 : i32
    %c0_i32_1 = arith.constant 0 : i32
    return %c0_i32, %c0_i32_0 : i32, i32
  }
  func.func @transform_18(%arg0: i32) -> (i32, i32) {
    %c0_i32 = arith.constant 0 : i32
    %c0_i32_0 = arith.constant 0 : i32
    %c0_i32_1 = arith.constant 0 : i32
    return %c0_i32, %c0_i32_0 : i32, i32
  }
  func.func @transform_19(%arg0: i32) -> (i32, i32) {
    %c0_i32 = arith.constant 0 : i32
    %c0_i32_0 = arith.constant 0 : i32
    %c0_i32_1 = arith.constant 0 : i32
    return %c0_i32, %c0_i32_0 : i32, i32
  }
  func.func @transform_20(%arg0: i32) -> (i32, i32) {
    %c0_i32 = arith.constant 0 : i32
    %c0_i32_0 = arith.constant 0 : i32
    %c0_i32_1 = arith.constant 0 : i32
    return %c0_i32, %c0_i32_0 : i32, i32
  }
  func.func @transform_21(%arg0: i32) -> (i32, i32) {
    %c0_i32 = arith.constant 0 : i32
    %c0_i32_0 = arith.constant 0 : i32
    return %arg0, %c0_i32 : i32, i32
  }
  func.func @transform_22(%arg0: i32) -> (i32, i32) {
    %c0_i32 = arith.constant 0 : i32
    %c0_i32_0 = arith.constant 0 : i32
    %c0_i32_1 = arith.constant 0 : i32
    return %c0_i32, %c0_i32_0 : i32, i32
  }
  func.func @transform_23(%arg0: i32) -> (i32, i32) {
    %c0_i32 = arith.constant 0 : i32
    %c0_i32_0 = arith.constant 0 : i32
    %c0_i32_1 = arith.constant 0 : i32
    return %c0_i32, %c0_i32_0 : i32, i32
  }
}

module attributes {stable_mosaic.version = 14 : i64} {
  func.func @_edge_body(%arg0: i32, %arg1: memref<2560x128xf32, #tpu.memory_space<vmem>>, %arg2: memref<2560x128xf32, #tpu.memory_space<vmem>>, %arg3: memref<2560x16xf32, #tpu.memory_space<vmem>>, %arg4: memref<16x128xf32, #tpu.memory_space<vmem>>, %arg5: memref<1x128xf32, #tpu.memory_space<vmem>>, %arg6: memref<128x128xf32, #tpu.memory_space<vmem>>, %arg7: memref<1x128xf32, #tpu.memory_space<vmem>>, %arg8: memref<128x64xf32, #tpu.memory_space<vmem>>, %arg9: memref<1x64xf32, #tpu.memory_space<vmem>>, %arg10: memref<64x2xf32, #tpu.memory_space<vmem>>, %arg11: memref<1x2xf32, #tpu.memory_space<vmem>>, %arg12: memref<2560x2xf32, #tpu.memory_space<vmem>>) attributes {dimension_semantics = [#tpu.dimension_semantics<arbitrary>], iteration_bounds = array<i64: 125>, scalar_prefetch = 0 : i64, scratch_operands = 0 : i64, tpu.core_type = #tpu.core_type<tc>, window_params = [{transform_indices = @transform_0, window_bounds = array<i64: 2560, 128>}, {transform_indices = @transform_1, window_bounds = array<i64: 2560, 128>}, {transform_indices = @transform_2, window_bounds = array<i64: 2560, 16>}, {pipeline_mode = #tpu.pipeline_mode<synchronous>, transform_indices = @transform_3, window_bounds = array<i64: 16, 128>}, {pipeline_mode = #tpu.pipeline_mode<synchronous>, transform_indices = @transform_4, window_bounds = array<i64: 1, 128>}, {pipeline_mode = #tpu.pipeline_mode<synchronous>, transform_indices = @transform_5, window_bounds = array<i64: 128, 128>}, {pipeline_mode = #tpu.pipeline_mode<synchronous>, transform_indices = @transform_6, window_bounds = array<i64: 1, 128>}, {pipeline_mode = #tpu.pipeline_mode<synchronous>, transform_indices = @transform_7, window_bounds = array<i64: 128, 64>}, {pipeline_mode = #tpu.pipeline_mode<synchronous>, transform_indices = @transform_8, window_bounds = array<i64: 1, 64>}, {pipeline_mode = #tpu.pipeline_mode<synchronous>, transform_indices = @transform_9, window_bounds = array<i64: 64, 2>}, {pipeline_mode = #tpu.pipeline_mode<synchronous>, transform_indices = @transform_10, window_bounds = array<i64: 1, 2>}, {transform_indices = @transform_11, window_bounds = array<i64: 2560, 2>}]} {
    %get3A = arith.constant 0 : index
    %get3A_0 = arith.constant 0 : index
    %get3A_1 = vector.load %arg3[%get3A, %get3A_0] : memref<2560x16xf32, #tpu.memory_space<vmem>>, vector<2560x16xf32>
    %get3A_2 = arith.constant 0 : index
    %get3A_3 = arith.constant 0 : index
    %get3A_4 = vector.load %arg4[%get3A_2, %get3A_3] : memref<16x128xf32, #tpu.memory_space<vmem>>, vector<16x128xf32>
    %dot_general3A = arith.constant dense<0.000000e+00> : vector<2560x128xf32>
    %dot_general3A_5 = tpu.matmul %get3A_1, %get3A_4, %dot_general3A {dimension_numbers = #tpu.dot_dimension_numbers<[1], [0], [0], [1], [0, 0, 1, 1], [], []>, transpose_lhs_hint = false} : vector<2560x16xf32>, vector<16x128xf32>, vector<2560x128xf32> -> vector<2560x128xf32>
    %get3A_6 = arith.constant 0 : index
    %get3A_7 = arith.constant 0 : index
    %get3A_8 = vector.load %arg5[%get3A_6, %get3A_7] : memref<1x128xf32, #tpu.memory_space<vmem>>, vector<1x128xf32>
    %add3A = vector.broadcast %get3A_8 : vector<1x128xf32> to vector<2560x128xf32>
    %add3A_9 = arith.addf %dot_general3A_5, %add3A : vector<2560x128xf32>
    %max3A = arith.constant 0.000000e+00 : f32
    %max3A_10 = vector.broadcast %max3A : f32 to vector<2560x128xf32>
    %max3A_11 = arith.maximumf %add3A_9, %max3A_10 : vector<2560x128xf32>
    %get3A_12 = arith.constant 0 : index
    %get3A_13 = arith.constant 0 : index
    %get3A_14 = vector.load %arg1[%get3A_12, %get3A_13] : memref<2560x128xf32, #tpu.memory_space<vmem>>, vector<2560x128xf32>
    %get3A_15 = arith.constant 0 : index
    %get3A_16 = arith.constant 0 : index
    %get3A_17 = vector.load %arg2[%get3A_15, %get3A_16] : memref<2560x128xf32, #tpu.memory_space<vmem>>, vector<2560x128xf32>
    %add3A_18 = arith.addf %get3A_14, %get3A_17 : vector<2560x128xf32>
    %get3A_19 = arith.constant 0 : index
    %get3A_20 = arith.constant 0 : index
    %get3A_21 = vector.load %arg6[%get3A_19, %get3A_20] : memref<128x128xf32, #tpu.memory_space<vmem>>, vector<128x128xf32>
    %dot_general3A_22 = arith.constant dense<0.000000e+00> : vector<2560x128xf32>
    %dot_general3A_23 = tpu.matmul %max3A_11, %get3A_21, %dot_general3A_22 {dimension_numbers = #tpu.dot_dimension_numbers<[1], [0], [0], [1], [0, 0, 1, 1], [], []>, transpose_lhs_hint = false} : vector<2560x128xf32>, vector<128x128xf32>, vector<2560x128xf32> -> vector<2560x128xf32>
    %add3A_24 = arith.addf %add3A_18, %dot_general3A_23 : vector<2560x128xf32>
    %get3A_25 = arith.constant 0 : index
    %get3A_26 = arith.constant 0 : index
    %get3A_27 = vector.load %arg7[%get3A_25, %get3A_26] : memref<1x128xf32, #tpu.memory_space<vmem>>, vector<1x128xf32>
    %add3A_28 = vector.broadcast %get3A_27 : vector<1x128xf32> to vector<2560x128xf32>
    %add3A_29 = arith.addf %add3A_24, %add3A_28 : vector<2560x128xf32>
    %max3A_30 = arith.constant 0.000000e+00 : f32
    %max3A_31 = vector.broadcast %max3A_30 : f32 to vector<2560x128xf32>
    %max3A_32 = arith.maximumf %add3A_29, %max3A_31 : vector<2560x128xf32>
    %get3A_33 = arith.constant 0 : index
    %get3A_34 = arith.constant 0 : index
    %get3A_35 = vector.load %arg8[%get3A_33, %get3A_34] : memref<128x64xf32, #tpu.memory_space<vmem>>, vector<128x64xf32>
    %dot_general3A_36 = arith.constant dense<0.000000e+00> : vector<2560x64xf32>
    %dot_general3A_37 = tpu.matmul %max3A_32, %get3A_35, %dot_general3A_36 {dimension_numbers = #tpu.dot_dimension_numbers<[1], [0], [0], [1], [0, 0, 1, 1], [], []>, transpose_lhs_hint = false} : vector<2560x128xf32>, vector<128x64xf32>, vector<2560x64xf32> -> vector<2560x64xf32>
    %get3A_38 = arith.constant 0 : index
    %get3A_39 = arith.constant 0 : index
    %get3A_40 = vector.load %arg9[%get3A_38, %get3A_39] : memref<1x64xf32, #tpu.memory_space<vmem>>, vector<1x64xf32>
    %add3A_41 = vector.broadcast %get3A_40 : vector<1x64xf32> to vector<2560x64xf32>
    %add3A_42 = arith.addf %dot_general3A_37, %add3A_41 : vector<2560x64xf32>
    %max3A_43 = arith.constant 0.000000e+00 : f32
    %max3A_44 = vector.broadcast %max3A_43 : f32 to vector<2560x64xf32>
    %max3A_45 = arith.maximumf %add3A_42, %max3A_44 : vector<2560x64xf32>
    %get3A_46 = arith.constant 0 : index
    %get3A_47 = arith.constant 0 : index
    %get3A_48 = vector.load %arg10[%get3A_46, %get3A_47] : memref<64x2xf32, #tpu.memory_space<vmem>>, vector<64x2xf32>
    %dot_general3A_49 = arith.constant dense<0.000000e+00> : vector<2560x2xf32>
    %dot_general3A_50 = tpu.matmul %max3A_45, %get3A_48, %dot_general3A_49 {dimension_numbers = #tpu.dot_dimension_numbers<[1], [0], [0], [1], [0, 0, 1, 1], [], []>, transpose_lhs_hint = false} : vector<2560x64xf32>, vector<64x2xf32>, vector<2560x2xf32> -> vector<2560x2xf32>
    %get3A_51 = arith.constant 0 : index
    %get3A_52 = arith.constant 0 : index
    %get3A_53 = vector.load %arg11[%get3A_51, %get3A_52] : memref<1x2xf32, #tpu.memory_space<vmem>>, vector<1x2xf32>
    %add3A_54 = vector.broadcast %get3A_53 : vector<1x2xf32> to vector<2560x2xf32>
    %add3A_55 = arith.addf %dot_general3A_50, %add3A_54 : vector<2560x2xf32>
    %swap3A = arith.constant 0 : index
    %swap3A_56 = arith.constant 0 : index
    %swap3A_57 = vector.load %arg12[%swap3A, %swap3A_56] : memref<2560x2xf32, #tpu.memory_space<vmem>>, vector<2560x2xf32>
    tpu.vector_store %arg12[%swap3A, %swap3A_56], %add3A_55 {strides = array<i32>} : memref<2560x2xf32, #tpu.memory_space<vmem>>, vector<2560x2xf32>,
    return
  }
  func.func @transform_0(%arg0: i32) -> (i32, i32) {
    %c0_i32 = arith.constant 0 : i32
    %c0_i32_0 = arith.constant 0 : i32
    return %arg0, %c0_i32 : i32, i32
  }
  func.func @transform_1(%arg0: i32) -> (i32, i32) {
    %add3A = arith.constant 128 : i32
    %add3A_0 = arith.addi %arg0, %add3A : i32
    %c0_i32 = arith.constant 0 : i32
    %c0_i32_1 = arith.constant 0 : i32
    return %add3A_0, %c0_i32 : i32, i32
  }
  func.func @transform_2(%arg0: i32) -> (i32, i32) {
    %c0_i32 = arith.constant 0 : i32
    %c0_i32_0 = arith.constant 0 : i32
    return %arg0, %c0_i32 : i32, i32
  }
  func.func @transform_3(%arg0: i32) -> (i32, i32) {
    %c0_i32 = arith.constant 0 : i32
    %c0_i32_0 = arith.constant 0 : i32
    %c0_i32_1 = arith.constant 0 : i32
    return %c0_i32, %c0_i32_0 : i32, i32
  }
  func.func @transform_4(%arg0: i32) -> (i32, i32) {
    %c0_i32 = arith.constant 0 : i32
    %c0_i32_0 = arith.constant 0 : i32
    %c0_i32_1 = arith.constant 0 : i32
    return %c0_i32, %c0_i32_0 : i32, i32
  }
  func.func @transform_5(%arg0: i32) -> (i32, i32) {
    %c0_i32 = arith.constant 0 : i32
    %c0_i32_0 = arith.constant 0 : i32
    %c0_i32_1 = arith.constant 0 : i32
    return %c0_i32, %c0_i32_0 : i32, i32
  }
  func.func @transform_6(%arg0: i32) -> (i32, i32) {
    %c0_i32 = arith.constant 0 : i32
    %c0_i32_0 = arith.constant 0 : i32
    %c0_i32_1 = arith.constant 0 : i32
    return %c0_i32, %c0_i32_0 : i32, i32
  }
  func.func @transform_7(%arg0: i32) -> (i32, i32) {
    %c0_i32 = arith.constant 0 : i32
    %c0_i32_0 = arith.constant 0 : i32
    %c0_i32_1 = arith.constant 0 : i32
    return %c0_i32, %c0_i32_0 : i32, i32
  }
  func.func @transform_8(%arg0: i32) -> (i32, i32) {
    %c0_i32 = arith.constant 0 : i32
    %c0_i32_0 = arith.constant 0 : i32
    %c0_i32_1 = arith.constant 0 : i32
    return %c0_i32, %c0_i32_0 : i32, i32
  }
  func.func @transform_9(%arg0: i32) -> (i32, i32) {
    %c0_i32 = arith.constant 0 : i32
    %c0_i32_0 = arith.constant 0 : i32
    %c0_i32_1 = arith.constant 0 : i32
    return %c0_i32, %c0_i32_0 : i32, i32
  }
  func.func @transform_10(%arg0: i32) -> (i32, i32) {
    %c0_i32 = arith.constant 0 : i32
    %c0_i32_0 = arith.constant 0 : i32
    %c0_i32_1 = arith.constant 0 : i32
    return %c0_i32, %c0_i32_0 : i32, i32
  }
  func.func @transform_11(%arg0: i32) -> (i32, i32) {
    %c0_i32 = arith.constant 0 : i32
    %c0_i32_0 = arith.constant 0 : i32
    return %arg0, %c0_i32 : i32, i32
  }
}

</mosaic_0001>

<sc_bundles>
// kernel: kernel.5.cloned.1.call-start
scs
__scs_entry_jumppad:
0x0: {  	(pc) =	sbr.rel $0x88, $3  }
0x1: {  	(tag) =	ssettag $0x0;
	lr =	simm.s32 $0x1  }
0x2: {  	[smem:$0x3F81] =	sst lr;
	_ =	strace $0xD0000000  }
0x3: {  	_ = 	snop  }
0x4: {  	_ = 	snop  }
0x5: {  	_ = 	snop  }
0x6: {  	_ = 	snop  }
0x7: {  	_ = 	snop  }
__scs_overlays_trampoline_lowered:
0x8: {  	[smem:$0x3F90] =	sst s0  }
0x9: {  	[smem:$0x3F91] =	sst s1  }
0xa: {  	[smem:$0x3F92] =	sst s2  }
0xb: {  	[smem:$0x3F93] =	sst s3  }
0xc: {  	[smem:$0x3F94] =	sst s4  }
0xd: {  	[smem:$0x3F95] =	sst s5  }
0xe: {  	[smem:$0x3F96] =	sst s6  }
0xf: {  	[smem:$0x3F97] =	sst s7  }
0x10: {  	[smem:$0x3F98] =	sst s8  }
0x11: {  	[smem:$0x3F99] =	sst s9;
	s0 =	simm.s32 @!p0 $0x0  }
0x12: {  	s1 =	sld [smem:$0x3F7F];
	s0 =	simm.s32 @p0 $0x1  }
0x13: {  	[smem:$0x3F9A] =	sst s0;
	s0 =	simm.s32 @!p1 $0x0  }
0x14: {  	s2 =	sld [smem:$0x3F7E];
	s0 =	simm.s32 @p1 $0x1  }
0x15: {  	[smem:$0x3F9B] =	sst s0;
	s0 =	simm.s32 @!p2 $0x0  }
0x16: {  	s3 =	sld [smem:$0x3FDB];
	s0 =	simm.s32 @p2 $0x1  }
0x17: {  	s4 =	simm.s32 $0x1BF5;
	[smem:$0x3F9D] =	sst s0  }
0x18: {  	s0 =	sld [smem:$0x3F80];
	_ =	swait.ge [sflag:s4], $0x0  }
0x19: {  	s7 =	sld [smem:$0x3F81]  }
0x1a: {  	s8 =	sadd.s32 $0xFFFFE003, lr  }
0x1b: {  	s9 =	sadd.s32 $0xFFFFFEF7, lr;
	s5 =	simm.s32 $0xFFFFFFFF;
	p2 =	slt.u32 s8, $0xFFFFF086  }
0x1c: {  	p1 =	slt.u32 s9, $0xF7A;
	s5 =	simm.s32 @!p2 $0x0  }
0x1d: {  	s5 =	simm.s32 @p1 $0x1;
	p0 =	seq.s32 s7, s2  }
0x1e: {  	s7 =	smul.u32 @!p0 $0xF7A, s2;
	p2 =	seq.s32 @!p0 s5, $0x0  }
0x1f: {  	s9 =	smul.u32 $0xF7A, s1;
	s8 =	simm.s32 @!p0 $0x1BF5;
	p2 =	por !p2, p0  }
0x20: {  	[sflag:s8] =	ssyncset.s32 @!p0 $0xFFFFF086;
	s6 =	sadd.s32 @!p0 s3, s7;
	s7 =	simm.s32 @!p0 $0x108  }
0x21: {  	s3 =	sadd.s32 s3, s9;
	s6 =	sadd.s32 @!p0 $0x88, s6;
	s7 =	simm.s32 @p2 $0x1082  }
0x22: {  	[simem:s7], [sflag:s8] =	dma.local @!p0 [hbm:s6], $0xF7A  }
0x23: {  	s9 =	sor.u32 $0xD0000000, s2;
	s6 =	simm.s32 $0x108;
	_ =	swait.ge @!p0 [sflag:s8], $0x0  }
0x24: {  	s3 =	sadd.s32 $0x88, s3;
	s6 =	simm.s32 @!p1 $0x1082;
	[sflag:s4] =	ssyncset.s32 $0xFFFFF086  }
0x25: {  	[simem:s6], [sflag:s4] =	dma.local [hbm:s3], $0xF7A  }
0x26: {  	[smem:$0x3F81] =	sst s1;
	(tag) =	ssettag s2;
	_ =	strace s9  }
0x27: {  	s1 =	sld [smem:$0x3F91]  }
0x28: {  	s2 =	sld [smem:$0x3F92]  }
0x29: {  	s4 =	sld [smem:$0x3F94]  }
0x2a: {  	p0 =	seq.s32 s5, $0x0;
	s5 =	sld [smem:$0x3F95]  }
0x2b: {  	s6 =	sld [smem:$0x3F96]  }
0x2c: {  	s7 =	sld [smem:$0x3F97]  }
0x2d: {  	s3 =	simm.s32 $0x108;
	s8 =	sld [smem:$0x3F98]  }
0x2e: {  	s3 =	simm.s32 @!p0 $0x1082;
	s9 =	sld [smem:$0x3F99]  }
0x2f: {  	lr =	sadd.s32 s0, s3;
	s0 =	sld [smem:$0x3F90]  }
0x30: {  	s3 =	sld [smem:$0x3F93]  }
0x31: {  	[smem:$0x3F9C] =	sst s10  }
0x32: {  	s10 =	sld [smem:$0x3F9A];
	_ =	sdelay $0x3  }
0x33: {  	p0 =	seq.s32 s10, $0x1;
	s10 =	sld [smem:$0x3F9C];
	_ =	sdelay $0x3  }
0x34: {  	[smem:$0x3F9C] =	sst s10  }
0x35: {  	s10 =	sld [smem:$0x3F9B];
	_ =	sdelay $0x3  }
0x36: {  	p1 =	seq.s32 s10, $0x1;
	s10 =	sld [smem:$0x3F9C];
	_ =	sdelay $0x3  }
0x37: {  	[smem:$0x3F9C] =	sst s10  }
0x38: {  	s10 =	sld [smem:$0x3F9D]  }
0x39: {  	_ = 	snop;
	(pc) =	sbr.ind lr, $3  }
0x3a: {  	_ = 	snop  }
0x3b: {  	_ = 	snop  }
0x3c: {  	p2 =	seq.s32 s10, $0x1;
	s10 =	sld [smem:$0x3F9C]  }
0x3d: {  	_ =	shalt  }
0x3e: {  	_ =	shalt  }
0x3f: {  	_ =	shalt  }
0x40: {  	_ =	shalt  }
0x41: {  	_ =	shalt  }
0x42: {  	_ =	shalt  }
0x43: {  	_ =	shalt  }
0x44: {  	_ =	shalt  }
0x45: {  	_ =	shalt  }
0x46: {  	_ =	shalt  }
0x47: {  	_ =	shalt  }
0x48: {  	_ =	shalt  }
0x49: {  	_ =	shalt  }
0x4a: {  	_ =	shalt  }
0x4b: {  	_ =	shalt  }
0x4c: {  	_ =	shalt  }
0x4d: {  	_ =	shalt  }
0x4e: {  	_ =	shalt  }
0x4f: {  	_ =	shalt  }
0x50: {  	_ =	shalt  }
0x51: {  	_ =	shalt  }
0x52: {  	_ =	shalt  }
0x53: {  	_ =	shalt  }
0x54: {  	_ =	shalt  }
0x55: {  	_ =	shalt  }
0x56: {  	_ =	shalt  }
0x57: {  	_ =	shalt  }
0x58: {  	_ =	shalt  }
0x59: {  	_ =	shalt  }
0x5a: {  	_ =	shalt  }
0x5b: {  	_ =	shalt  }
0x5c: {  	_ =	shalt  }
0x5d: {  	_ =	shalt  }
0x5e: {  	_ =	shalt  }
0x5f: {  	_ =	shalt  }
0x60: {  	_ =	shalt  }
0x61: {  	_ =	shalt  }
0x62: {  	_ =	shalt  }
0x63: {  	_ =	shalt  }
0x64: {  	_ =	shalt  }
0x65: {  	_ =	shalt  }
0x66: {  	_ =	shalt  }
0x67: {  	_ =	shalt  }
0x68: {  	_ =	shalt  }
0x69: {  	_ =	shalt  }
0x6a: {  	_ =	shalt  }
0x6b: {  	_ =	shalt  }
0x6c: {  	_ =	shalt  }
0x6d: {  	_ =	shalt  }
0x6e: {  	_ =	shalt  }
0x6f: {  	_ =	shalt  }
0x70: {  	_ =	shalt  }
0x71: {  	_ =	shalt  }
0x72: {  	_ =	shalt  }
0x73: {  	_ =	shalt  }
0x74: {  	_ =	shalt  }
0x75: {  	_ =	shalt  }
0x76: {  	_ =	shalt  }
0x77: {  	_ =	shalt  }
0x78: {  	_ =	shalt  }
0x79: {  	_ =	shalt  }
0x7a: {  	_ =	shalt  }
0x7b: {  	_ =	shalt  }
0x7c: {  	_ =	shalt  }
0x7d: {  	_ =	shalt  }
0x7e: {  	_ =	shalt  }
0x7f: {  	_ =	shalt  }
0x80: {  	_ =	shalt  }
0x81: {  	_ =	shalt  }
0x82: {  	_ =	shalt  }
0x83: {  	_ =	shalt  }
0x84: {  	_ =	shalt  }
0x85: {  	_ =	shalt  }
0x86: {  	_ =	shalt  }
0x87: {  	_ =	shalt  }
.Lfunc_end0:
.L_simem_size_0:
called_computation_lowered:
.L_overlay_start_0:
0x88: {  	s2 =	sld [smem:$0x3FD9]  }
0x89: {  	s3 =	sld [smem:$0x3FFE];
	_ =	sdelay $0x1  }
0x8a: {  	s1 =	srdreg.scid  }
0x8b: {  	s0 =	sand.u32 $0x1, s1  }
0x8c: {  	s16 =	sshll.u32 s0, $0xA;
	s2 =	sadd.s32 s3, s2  }
0x8d: {  	s2 =	sadd.s32 s2, s16  }
0x8e: {  	[smem:$0x3FA8] =	sst s2  }
0x8f: {  	_ = 	snop  }
0x90: {  	(tm) =	ssettm $0x1  }
0x91: {  	s17 =	sld [smem:$0x3FFB];
	_ =	sdelay $0x3  }
0x92: {  	_ =	strace s17  }
0x93: {  	s2 =	sld [smem:$0x3FFC];
	_ =	sdelay $0x3  }
0x94: {  	_ =	strace s2  }
0x95: {  	s2 =	sld [smem:$0x3FFD];
	_ =	sdelay $0x3  }
0x96: {  	_ =	strace s2  }
0x97: {  	_ =	strace $0x8FFFFFFF  }
0x98: {  	s18 =	sld [smem:$0x3FDB];
	_ =	sdelay $0x1  }
0x99: {  	s19 =	simm.s32 $_scs_section_size  }
0x9a: {  	s4 =	simm.s32 $_size__tile_overlayer_lowered;
	s5 =	simm.s32 $_tile_overlayer_lowered  }
0x9b: {  	s22 =	simm.s32 $0x1BFF;
	s21 =	sshll.u32 s5, $0x1;
	s2 =	sadd.s32 s19, s18  }
0x9c: {  	s6 =	simm.s32 $0x0;
	s20 =	sshll.u32 s4, $0x1;
	s4 =	sadd.s32 s21, s2  }
0x9d: {  	[timem:s6], [sflag:s22] =	dma.local [hbm:s4], s20  }
0x9e: {  	_ =	swait.ge [sflag:s22], s20  }
0x9f: {  	s3 =	ssub.s32 $0x0, s20;
	[sflag:s22] =	ssyncset.done $0x0  }
0xa0: {  	[sflag:s22] =	ssyncadd.s32 s3;
	_ =	sdelay $0x1  }
0xa1: {  	s23 =	simm.s32 $0x1B8B  }
0xa2: {  	_ =	swait.ge [sflag:s23], $0x1  }
0xa3: {  	[sflag:s23] =	ssyncset.done $0x0  }
0xa4: {  	s25 =	simm.s32 $0x1B8E;
	s24 =	sld [smem:$0x3FFE];
	[sflag:s23] =	ssyncadd.s32 $0xFFFFFFFF  }
0xa5: {  	s26 =	simm.s32 $execute0_lowered;
	[smem:$0x3FD2] =	sst s25  }
0xa6: {  	s4 =	sshll.u32 s26, $0x1;
	_ =	strace $0x80000046;
	[dreg:$0x1] =	wrdreg $0xFFFFFFFF  }
0xa7: {  	s28 =	simm.s32 $_size_execute0_lowered;
	s2 =	sadd.s32 s2, s4;
	[dreg:$0x0] =	wrdreg $0x0  }
0xa8: {  	s4 =	sshll.u32 s28, $0x1;
	[dreg:$0x2] =	wrdreg s2  }
0xa9: {  	[dreg:$0x3] =	wrdreg s4  }
0xaa: {  	[dreg:$0x4] =	wrdreg $0xC0  }
0xab: {  	_ =	task [dreg:s6], $0x5FFFF  }
0xac: {  	[dreg:$0x1] =	wrdreg $0xFFFFFFFF  }
0xad: {  	[dreg:$0x0] =	wrdreg $0x60  }
0xae: {  	[dreg:$0x2] =	wrdreg s24  }
0xaf: {  	[dreg:$0x3] =	wrdreg $0x90000  }
0xb0: {  	[dreg:$0x4] =	wrdreg $0x9  }
0xb1: {  	_ =	task.clear_ibuf [dreg:s6], $0x5FFFF;
	_ =	strace $0x90000046  }
0xb2: {  	s29 =	simm.s32 $0x9;
	_ =	strace $0x80000048  }
0xb3: {  	_ =	swait.ge [sflag:s29], $0x1  }
0xb4: {  	[sflag:s29] =	ssyncadd.s32 $0xFFFFFFFF  }
0xb5: {  	_ =	strace $0x90000048  }
0xb6: {  	_ =	sfence  }
0xb7: {  	s30 =	sld [smem:$0x0];
	_ =	sdelay $0x2  }
0xb8: {  	s31 =	sshll.u32 s1, $0xD;
	s1 =	sshrl.u32 s1, $0x2  }
0xb9: {  	s3 =	sand.u32 $0x4000, s31;
	s1 =	sadd.s32 s1, s30  }
0xba: {  	s0 =	sor.u32 s3, s0;
	s1 =	sshll.u32 s1, $0x11  }
0xbb: {  	s0 =	sor.u32 s1, s0  }
0xbc: {  	s0 =	sadd.s32 $0x8F2B, s0  }
0xbd: {  	[sflag:s0] =	ssyncadd.remote.s32 $0x1  }
0xbe: {  	_ =	sfence.sel $0xFFFF  }
0xbf: {  	[dreg:$0x0] =	wrdreg $0xFFFFFFFF;
	(pc) =	sbr.abs _section_cstart, $3  }
0xc0: {  	[dreg:$0x1] =	wrdreg $0xFFFFFFFF  }
0xc1: {  	_ =	task.clear_ibuf [dreg:s6], $0x2FFFF;
	_ =	strace $0x9FFFFFFF  }
0xc2: {  	(tm) =	ssettm $0x7FFFFFFF  }
0xc3: {  	_ =	shalt  }
tec
execute0_lowered:
.L_overlay_start_1:
0x0: {  	(tag) =	ssettag $0x1  }
0x1: {  	s4 =	rddreg [dreg:$0x0];
	s0 =	srdreg.scid  }
0x2: {  	s2 =	rddreg [dreg:$0x1];
	s1 =	stileid.u32;
	s3 =	simm.s32 $0x0  }
0x3: {  	s17 =	simm.s32 $0x7000;
	s18 =	simm.s32 $0x1;
	s19 =	simm.s32 $0x3  }
0x4: {  	s20 =	simm.s32 $0x2;
	s21 =	simm.s32 $0x4;
	s7 =	smul.u32 $0x5000, s1  }
0x5: {  	s6 =	sand.u32 $0x1, s0;
	s0 =	rddreg [dreg:$0x2];
	s22 =	smul.u32 $0x4E000, s1  }
0x6: {  	[smem:$0x7FF] =	sst s3;
	s9 =	sadd.s32 $0x18200, s4;
	s11 =	smul.u32 $0x270, s1  }
0x7: {  	s12 =	sadd.s32 $0x66600, s4;
	s25 =	sshll.u32 s1, $0x6;
	s29 =	smul.u32 $0x50000, s1  }
0x8: {  	s26 =	sshll.u32 s1, $0xA;
	p0 =	sgt.u32 s1, $0x1;
	s5 =	smul.u32 $0x50000, s6  }
0x9: {  	s8 =	smul.u32 $0x2710, s6;
	_ =	strace $0x80000047;
	s23 =	ssub.s32 $0x2, s6  }
0xa: {  	s15 =	smul.u32 $0x500000, s6;
	s13 =	sshrl.u32 s23, $0x1;
	s7 =	sadd.s32 s7, s5  }
0xb: {  	s5 =	sshrl.u32 s22, $0x2;
	s11 =	sadd.s32 s11, s8;
	s13 =	ssub.s32 s23, s13  }
0xc: {  	s8 =	sshrl.u32 s8, $0x3;
	s31 =	sadd.s32 s15, s12;
	s15 =	simm.s32 $0x40  }
0xd: {  	s22 =	simm.s32 $0x0;
	s10 =	sshrl.u32 s7, $0x3;
	s14 =	sadd.s32 s5, s2  }
0xe: {  	s24 =	sshll.u32 s11, $0x4;
	s5 =	sor.u32 $0x1C05, s25;
	s8 =	sadd.s32 s1, s8  }
0xf: {  	s11 =	sadd.s32 s26, s2;
	s30 =	sshll.u32 s7, $0x4;
	s10 =	sadd.s32 s10, s4  }
0x10: {  	s4 =	sadd.s32 s9, s24;
	s8 =	sshll.u32 s8, $0x7;
	s16 =	sadd.s32 $0x138000, s11  }
0x11: {  	s11 =	sadd.s32 s29, s31;
	s28 =	sadd.s32 s9, s8;
	s7 =	sadd.s32 $0x4200, s10  }
0x12: {  	s8 =	sadd.s32 s12, s30;
	s10 =	smax.u32 s13, $0x1;
	s11 =	sadd.s32 $0x800, s11  }
0x13: {  	s12 =	sshrl.u32 s14, $0x3;
	s13 =	simm.s32 $0x5;
	s14 =	sshrl.u32 @!p0 s16, $0x3  }
0x14: {  	s16 =	simm.s32 $0x5000;
	s6 =	sadd.s32 $0x27000, s28;
	s9 =	sadd.s32 $0x4FC00, s8  }
.LBB2_1:
0x15: {  	[spmem:s12], [sflag:s5] =	dma.local [hbm:s4], $0x2700  }
0x16: {  	_ =	swait.ge [sflag:s13], $0x2700  }
0x17: {  	[sflag:s13] =	ssyncset.done $0x0  }
0x18: {  	s23 =	simm.s32 @!p0 $0x5;
	[sflag:s13] =	ssyncadd.s32 $0xFFFFD900  }
0x19: {  	[spmem:s14], [sflag:s5] =	dma.local @!p0 [hbm:s6], $0x80  }
0x1a: {  	_ =	swait.ge @!p0 [sflag:s23], $0x80  }
0x1b: {  	[sflag:s23] =	ssyncset.done @!p0 $0x0  }
0x1c: {  	[sflag:s23] =	ssyncadd.s32 @!p0 $0xFFFFFF80  }
0x1d: {  	[tilespmem:s3], [sflag:$0x5] =	stream.linear.gather [hbm4b:s7+s3], $0x5000, $0x38;
	[tilespmem:$0x1C880] =	vst v63  }
0x1e: {  	_ =	swait.ge [sflag:s13], $0x5000  }
0x1f: {  	[sflag:s13] =	ssyncset.done $0x0  }
0x20: {  	[sflag:s13] =	ssyncadd.s32 $0xFFFFB000  }
0x21: {  	[bflag:$0x0] =	sbarrier.arrive $0xFFFF  }
0x22: {  	[tilespmem:s16], [sflag:$0x1] =	stream.indirect.gather [spmem:s2], $0x80, s3, s15, $0xb8;
	[tilespmem:$0x1C880] =	vst v63  }
0x23: {  	_ = 	snop  }
0x24: {  	[tilespmem:s17], [sflag:$0x2] =	stream.indirect.gather [spmem:s2], $0x80, s15, s15, $0xb8;
	[tilespmem:$0x1C880] =	vst v63  }
0x25: {  	_ =	swait.ge [sflag:s18], $0x2000  }
0x26: {  	[sflag:s18] =	ssyncset.done $0x0  }
0x27: {  	[sflag:s18] =	ssyncadd.s32 $0xFFFFE000  }
0x28: {  	[hbm4b:s8+s3] =	stream.linear.scatter [tilespmem:s16], [sflag:$0x3], $0x2000, $0x38;
	[tilespmem:$0x1C880] =	vst v63  }
0x29: {  	_ =	swait.ge [sflag:s19], $0x2000  }
0x2a: {  	[sflag:s19] =	ssyncset.done $0x0  }
0x2b: {  	s29 =	simm.s32 $0x80;
	[sflag:s19] =	ssyncadd.s32 $0xFFFFE000  }
0x2c: {  	[tilespmem:s16], [sflag:$0x1] =	stream.indirect.gather [spmem:s2], $0x80, s29, s15, $0xb8;
	[tilespmem:$0x1C880] =	vst v63  }
0x2d: {  	_ =	swait.ge [sflag:s20], $0x2000  }
0x2e: {  	[sflag:s20] =	ssyncset.done $0x0  }
0x2f: {  	s30 =	sadd.s32 $0xFFFFFC00, s11;
	[sflag:s20] =	ssyncadd.s32 $0xFFFFE000  }
0x30: {  	[hbm4b:s30+s3] =	stream.linear.scatter [tilespmem:s17], [sflag:$0x4], $0x2000, $0x38;
	[tilespmem:$0x1C880] =	vst v63  }
0x31: {  	_ =	swait.ge [sflag:s21], $0x2000  }
0x32: {  	[sflag:s21] =	ssyncset.done $0x0  }
0x33: {  	s31 =	simm.s32 $0xC0;
	[sflag:s21] =	ssyncadd.s32 $0xFFFFE000  }
0x34: {  	[tilespmem:s17], [sflag:$0x2] =	stream.indirect.gather [spmem:s2], $0x80, s31, s15, $0xb8;
	[tilespmem:$0x1C880] =	vst v63  }
0x35: {  	_ =	swait.ge [sflag:s18], $0x2000  }
0x36: {  	s24 =	sadd.s32 $0x800, s11;
	[sflag:s18] =	ssyncset.done $0x0  }
0x37: {  	s25 =	smov.u32 s11;
	s23 =	simm.s32 $0x200;
	[sflag:s18] =	ssyncadd.s32 $0xFFFFE000  }
.LBB2_2:
0x38: {  	[hbm4b:s25+s3] =	stream.linear.scatter [tilespmem:s16], [sflag:$0x3], $0x2000, $0x38;
	[tilespmem:$0x1C880] =	vst v63  }
0x39: {  	s26 =	smov.u32 s23;
	s25 =	smov.u32 s24  }
0x3a: {  	p1 =	sne.s32 s23, $0x13C00;
	s23 =	sadd.s32 $0x200, s23;
	_ =	swait.ge [sflag:s19], $0x2000  }
0x3b: {  	s26 =	sshra.s32 s26, $0x2;
	[sflag:s19] =	ssyncset.done $0x0  }
0x3c: {  	s28 =	sadd.s32 $0x80, s26;
	[sflag:s19] =	ssyncadd.s32 $0xFFFFE000  }
0x3d: {  	[tilespmem:s16], [sflag:$0x1] =	stream.indirect.gather [spmem:s2], $0x80, s28, s15, $0xb8;
	[tilespmem:$0x1C880] =	vst v63  }
0x3e: {  	_ =	swait.ge [sflag:s20], $0x2000  }
0x3f: {  	[sflag:s20] =	ssyncset.done $0x0  }
0x40: {  	s28 =	sadd.s32 $0xFFFFFC00, s24;
	[sflag:s20] =	ssyncadd.s32 $0xFFFFE000  }
0x41: {  	[hbm4b:s28+s3] =	stream.linear.scatter [tilespmem:s17], [sflag:$0x4], $0x2000, $0x38;
	[tilespmem:$0x1C880] =	vst v63  }
0x42: {  	_ =	swait.ge [sflag:s21], $0x2000  }
0x43: {  	[sflag:s21] =	ssyncset.done $0x0  }
.Ltmp0:
0x44: {  	s26 =	sadd.s32 $0xC0, s26;
	[sflag:s21] =	ssyncadd.s32 $0xFFFFE000;
	(pc) =	sbr.rel @p1 .LBB2_2-.Ltmp0, $4  }
0x45: {  	[tilespmem:s17], [sflag:$0x2] =	stream.indirect.gather [spmem:s2], $0x80, s26, s15, $0xb8;
	[tilespmem:$0x1C880] =	vst v63  }
0x46: {  	_ =	swait.ge [sflag:s18], $0x2000  }
0x47: {  	[sflag:s18] =	ssyncset.done $0x0  }
0x48: {  	s24 =	sadd.s32 $0x800, s24;
	[sflag:s18] =	ssyncadd.s32 $0xFFFFE000  }
0x49: {  	[hbm4b:s25+s3] =	stream.linear.scatter [tilespmem:s16], [sflag:$0x3], $0x2000, $0x38;
	[tilespmem:$0x1C880] =	vst v63  }
0x4a: {  	_ =	swait.ge [sflag:s20], $0x2000  }
0x4b: {  	[sflag:s20] =	ssyncset.done $0x0  }
0x4c: {  	s22 =	sadd.s32 $0x1, s22;
	[sflag:s20] =	ssyncadd.s32 $0xFFFFE000  }
0x4d: {  	[hbm4b:s9+s3] =	stream.linear.scatter [tilespmem:s17], [sflag:$0x4], $0x2000, $0x38;
	[tilespmem:$0x1C880] =	vst v63  }
0x4e: {  	p1 =	sne.s32 s22, s10;
	_ =	swait.ge [sflag:s19], $0x2000  }
.Ltmp1:
0x4f: {  	[sflag:s19] =	ssyncset.done $0x0;
	(pc) =	sbr.rel @p1 .LBB2_1-.Ltmp1, $4  }
0x50: {  	[sflag:s19] =	ssyncadd.s32 $0xFFFFE000  }
0x51: {  	_ =	swait.ge [sflag:s21], $0x2000  }
0x52: {  	[sflag:s21] =	ssyncset.done $0x0  }
0x53: {  	[sflag:s21] =	ssyncadd.s32 $0xFFFFE000  }
0x54: {  	_ =	sfence.sel $0x180000  }
0x55: {  	[bflag:$0x0] =	sbarrier.arrive $0xFFFF  }
0x56: {  	p0 =	sne.s32 s1, $0x0;
	_ =	strace $0x90000047  }
0x57: {  	s0 =	sadd.s32 @!p0 $0x100000, s0;
	[bflag:$0x2] =	sbarrier.arrive $0xFFFF  }
0x58: {  	[sflag:s0] =	ssyncadd.tile.s32 @!p0 $0x1;
	_ =	shalt  }
.Lfunc_end2:
_tile_overlayer_lowered:
.L_overlay_start_2:
0x59: {  	(tag) =	ssettag $0x2  }
0x5a: {  	s0 =	rddreg [dreg:$0x0];
	s2 =	stileid.u32  }
0x5b: {  	s1 =	rddreg [dreg:$0x1];
	p0 =	sne.s32 s2, $0x0  }
0x5c: {  	s3 =	rddreg [dreg:$0x2];
	[bflag:$0x3] =	sbarrier.arrive $0xFFFF;
	s2 =	simm.s32 @!p0 $0x1C05  }
0x5d: {  	[timem:s3], [sflag:s2] =	dma.local @!p0 [hbm:s0], s1  }
0x5e: {  	s0 =	simm.s32 @!p0 $0x5  }
0x5f: {  	_ =	swait.ge @!p0 [sflag:s0], s1  }
0x60: {  	s1 =	ssub.s32 @!p0 $0x0, s1;
	[sflag:s0] =	ssyncset.done @!p0 $0x0  }
0x61: {  	[sflag:s0] =	ssyncadd.s32 @!p0 s1  }
0x62: {  	[bflag:$0x3] =	sbarrier.arrive $0xFFFF  }
0x63: {  	_ =	shalt  }

</sc_bundles>
